<compile_context>
chip_gen: v7x
topology: tpu7x:2x2x1
jax: 0.10.2.dev20260603
libtpu: 0.0.44.dev20260713+nightly
codegen_flags: <defaults>
</compile_context>

<pallas_src>
import jax
import jax.numpy as jnp
from jax import lax
from jax.experimental import pallas as pl
from jax.experimental.pallas import tpu as pltpu
from jax.experimental.pallas import tpu_sc as plsc

NUM_EMOTIONS = 1000
HIDDEN_DIM = 768
MAX_SEQ_LEN = 32
BATCH = 4096

NC = 2
NS = 16
NW = NC * NS
BPW = BATCH // NW
NBUF = 4
DEPTH = 3
ROUNDS = BPW // NBUF

EPAD = 1024
MB = 512


def _rows_body(cond_hbm, ids2_hbm, out_h_hbm, idx_v, buf_v, gsems, wsems):
    wid = lax.axis_index("s") * NC + lax.axis_index("c")
    base = wid * BPW

    pltpu.sync_copy(ids2_hbm.at[pl.ds(base, BPW)], idx_v)

    def start_gather(g, b):
        pltpu.async_copy(cond_hbm.at[idx_v.at[g]], buf_v.at[b],
                         gsems.at[b])

    def wait_gather(g, b):
        pltpu.make_async_copy(cond_hbm.at[idx_v.at[g]],
                              buf_v.at[b], gsems.at[b]).wait()

    def start_write(g, b):
        pltpu.async_copy(buf_v.at[b], out_h_hbm.at[pl.ds(base + g, 1)],
                         wsems.at[b])

    def wait_write(g, b):
        pltpu.make_async_copy(buf_v.at[b], out_h_hbm.at[pl.ds(base + g, 1)],
                              wsems.at[b]).wait()

    for b in range(DEPTH):
        start_gather(b, b)

    def round_body(o, _):
        for b in range(NBUF):
            g = o * NBUF + b
            wait_gather(g, b)
            start_write(g, b)

            @pl.when(g >= 1)
            def _():
                wait_write(g - 1, (b - 1) % NBUF)

            @pl.when(g + DEPTH < BPW)
            def _():
                start_gather(g + DEPTH, (b + DEPTH) % NBUF)
        return _

    lax.fori_loop(0, ROUNDS, round_body, None)

    wait_write(BPW - 1, (BPW - 1) % NBUF)


def _masks_tc_body(ids_ref, masks_ref, out_ref):
    onehot = (ids_ref[:, :1] ==
              lax.broadcasted_iota(jnp.int32, (MB, EPAD), 1)
              ).astype(jnp.float32)
    prod = jax.lax.dot_general(onehot, masks_ref[...],
                               (((1,), (0,)), ((), ())),
                               preferred_element_type=jnp.float32)
    out_ref[...] = prod.astype(jnp.int32)


@jax.jit
def _launch(cond, masksf, ids):
    rows = pl.kernel(
        _rows_body,
        out_type=jax.ShapeDtypeStruct((BATCH, MAX_SEQ_LEN, HIDDEN_DIM),
                                      jnp.float32),
        mesh=plsc.VectorSubcoreMesh(core_axis_name="c", subcore_axis_name="s"),
        scratch_types=[
            pltpu.VMEM((BPW, 1), jnp.int32),
            pltpu.VMEM((NBUF, 1, MAX_SEQ_LEN, HIDDEN_DIM), jnp.float32),
            pltpu.SemaphoreType.DMA((NBUF,)),
            pltpu.SemaphoreType.DMA((NBUF,)),
        ],
    )
    masks_out = pl.pallas_call(
        _masks_tc_body,
        out_shape=jax.ShapeDtypeStruct((BATCH, MAX_SEQ_LEN), jnp.int32),
        grid=(BATCH // MB,),
        in_specs=[
            pl.BlockSpec((MB, 1), lambda i: (i, 0)),
            pl.BlockSpec((EPAD, MAX_SEQ_LEN), lambda i: (0, 0)),
        ],
        out_specs=pl.BlockSpec((MB, MAX_SEQ_LEN), lambda i: (i, 0)),
    )(jnp.reshape(ids, (BATCH, 1)), masksf)
    return rows(cond, jnp.reshape(ids, (BATCH, 1))), masks_out


def kernel(conditioning, attention_masks, emotion_ids):
    masksf = jnp.pad(attention_masks.astype(jnp.float32),
                     ((0, EPAD - NUM_EMOTIONS), (0, 0)))
    return _launch(conditioning, masksf, emotion_ids)

# --- scband reference (transcript-rebuilt; emitter-appended) ---
"""Pipeline reference for scband-emotion-embedding-30322469109849 (READ-ONLY COPY).

The authoritative reference and input builder live on the scoring server;
editing this copy changes nothing except your own understanding.
"""

import jax, jax.numpy as jnp
import numpy as np

NUM_EMOTIONS = 1000
HIDDEN_DIM = 768
MAX_SEQ_LEN = 32
BATCH = 4096


def setup_inputs(seed: int = 0) -> dict:
    key = jax.random.key(seed)
    k1, k2 = jax.random.split(key)
    # learned parameter (nn.Parameter initialized zeros in torch; use small randn for a non-trivial reference)
    conditioning = jax.random.normal(k1, (NUM_EMOTIONS, MAX_SEQ_LEN, HIDDEN_DIM), dtype=jnp.float32) * 0.02
    # registered buffer (long zeros in torch)
    attention_masks = jnp.zeros((NUM_EMOTIONS, MAX_SEQ_LEN), dtype=jnp.int32)
    emotion_ids = jax.random.randint(k2, (BATCH,), 0, NUM_EMOTIONS, dtype=jnp.int32)
    return {
        "conditioning": conditioning,
        "attention_masks": attention_masks,
        "emotion_ids": emotion_ids,
    }


def reference(conditioning, attention_masks, emotion_ids):
    # hidden_states = self.conditioning[emotion_ids]
    hidden_states = jnp.take(conditioning, emotion_ids, axis=0)
    # masks = self.attention_masks[emotion_ids]
    masks = jnp.take(attention_masks, emotion_ids, axis=0)
    return (hidden_states, masks)

if __name__ == "__main__":
    import jax
    _d = setup_inputs()
    print(jax.jit(kernel)(*tuple(_d.values())))

</pallas_src>

<mosaic_0001>
#map = affine_map<(d0, d1) -> (0, 0, 0)>
#map1 = affine_map<(d0, d1) -> (0, 0)>
module attributes {stable_mosaic.version = 14 : i64} {
  func.func @_rows_body(%arg0: i32, %arg1: i32, %arg2: memref<1000x32x768xf32, #tpu.memory_space<hbm>>, %arg3: memref<4096x1xi32, #tpu.memory_space<hbm>>, %arg4: memref<4096x32x768xf32, #tpu.memory_space<hbm>>, %arg5: memref<128x1xi32, #tpu.memory_space<vmem>>, %arg6: memref<4x1x32x768xf32, #tpu.memory_space<vmem>>, %arg7: memref<4x!tpu.dma_semaphore, #tpu.memory_space<semaphore_mem>>, %arg8: memref<4x!tpu.dma_semaphore, #tpu.memory_space<semaphore_mem>>) attributes {dimension_semantics = [#tpu.dimension_semantics<core_parallel>, #tpu.dimension_semantics<subcore_parallel>], iteration_bounds = array<i64: 2, 16>, scalar_prefetch = 0 : i64, scratch_operands = 4 : i64, tpu.core_type = #tpu.core_type<sc_vector_subcore>, window_params = [{transform_indices = #map}, {transform_indices = #map1}, {transform_indices = #map}]} {
    %mul3A = arith.constant 2 : i32
    %mul3A_0 = arith.muli %arg1, %mul3A : i32
    %add3A = arith.addi %mul3A_0, %arg0 : i32
    %mul3A_1 = arith.constant 128 : i32
    %mul3A_2 = arith.muli %add3A, %mul3A_1 : i32
    "tpu.region"() ({
      %run_scoped3A = tpu.sem_alloc : memref<!tpu.dma_semaphore, #tpu.memory_space<semaphore_mem>>
      %dma_start3A_78 = arith.constant 0 : i32
      %dma_start3A_79 = tpu.memref_slice %arg3[%mul3A_2, %dma_start3A_78] : memref<4096x1xi32, #tpu.memory_space<hbm>> -> memref<128x1xi32, #tpu.memory_space<hbm>>
      %dma_start3A_80 = arith.constant 0 : i32
      %dma_start3A_81 = tpu.memref_slice %arg3[%mul3A_2, %dma_start3A_80] : memref<4096x1xi32, #tpu.memory_space<hbm>> -> memref<128x1xi32, #tpu.memory_space<hbm>>
      tpu.enqueue_dma source(%dma_start3A_81 : memref<128x1xi32, #tpu.memory_space<hbm>>) target(%arg5 : memref<128x1xi32, #tpu.memory_space<vmem>>) target_semaphore(%run_scoped3A : memref<!tpu.dma_semaphore, #tpu.memory_space<semaphore_mem>>)
      %dma_wait3A_82 = arith.constant 0 : i32
      %dma_wait3A_83 = tpu.memref_slice %arg3[%mul3A_2, %dma_wait3A_82] : memref<4096x1xi32, #tpu.memory_space<hbm>> -> memref<128x1xi32, #tpu.memory_space<hbm>>
      %dma_wait3A_84 = arith.constant 0 : i32
      %dma_wait3A_85 = tpu.memref_slice %arg3[%mul3A_2, %dma_wait3A_84] : memref<4096x1xi32, #tpu.memory_space<hbm>> -> memref<128x1xi32, #tpu.memory_space<hbm>>
      tpu.wait_dma2 semaphore(%run_scoped3A : memref<!tpu.dma_semaphore, #tpu.memory_space<semaphore_mem>>) src(%dma_wait3A_85 : memref<128x1xi32, #tpu.memory_space<hbm>>) dst(%arg5 : memref<128x1xi32, #tpu.memory_space<vmem>>)
      tpu.yield
    }) : () -> ()
    %dma_start3A = arith.constant 0 : i32
    %dma_start3A_3 = arith.constant 0 : i32
    %dma_start3A_4 = arith.constant 0 : i32
    %dma_start3A_5 = arith.constant 0 : i32
    %dma_start3A_6 = arith.constant 0 : i32
    %dma_start3A_7 = arith.constant 0 : i32
    %dma_start3A_8 = tpu.memref_slice %arg6[%dma_start3A_3, %dma_start3A_5, %dma_start3A_6, %dma_start3A_7] : memref<4x1x32x768xf32, #tpu.memory_space<vmem>> -> memref<1x1x32x768xf32, #tpu.memory_space<vmem>>
    %dma_start3A_9 = tpu.memref_squeeze %dma_start3A_8 : memref<1x1x32x768xf32, #tpu.memory_space<vmem>> -> memref<1x32x768xf32, #tpu.memory_space<vmem>>
    %dma_start3A_10 = arith.constant 0 : i32
    %dma_start3A_11 = tpu.memref_slice %arg5[%dma_start3A, %dma_start3A_10] : memref<128x1xi32, #tpu.memory_space<vmem>> -> memref<1x1xi32, #tpu.memory_space<vmem>>
    %dma_start3A_12 = tpu.memref_squeeze %dma_start3A_11 : memref<1x1xi32, #tpu.memory_space<vmem>> -> memref<1xi32, #tpu.memory_space<vmem>>
    %dma_start3A_13 = arith.constant 0 : i32
    %dma_start3A_14 = arith.constant 0 : i32
    %dma_start3A_15 = arith.constant 0 : i32
    %dma_start3A_16 = tpu.memref_slice %arg2[%dma_start3A_13, %dma_start3A_14, %dma_start3A_15] : memref<1000x32x768xf32, #tpu.memory_space<hbm>> -> memref<1000x32x768xf32, #tpu.memory_space<hbm>>
    %dma_start3A_17 = tpu.memref_slice %arg7[%dma_start3A_4] : memref<4x!tpu.dma_semaphore, #tpu.memory_space<semaphore_mem>> -> memref<1x!tpu.dma_semaphore, #tpu.memory_space<semaphore_mem>>
    %dma_start3A_18 = tpu.memref_squeeze %dma_start3A_17 : memref<1x!tpu.dma_semaphore, #tpu.memory_space<semaphore_mem>> -> memref<!tpu.dma_semaphore, #tpu.memory_space<semaphore_mem>>
    tpu.enqueue_indirect_dma source(%dma_start3A_16 : memref<1000x32x768xf32, #tpu.memory_space<hbm>>) target(%dma_start3A_9 : memref<1x32x768xf32, #tpu.memory_space<vmem>>) offsets(%dma_start3A_12 : memref<1xi32, #tpu.memory_space<vmem>>) semaphore(%dma_start3A_18 : memref<!tpu.dma_semaphore, #tpu.memory_space<semaphore_mem>>)
    %dma_start3A_19 = arith.constant 1 : i32
    %dma_start3A_20 = arith.constant 1 : i32
    %dma_start3A_21 = arith.constant 1 : i32
    %dma_start3A_22 = arith.constant 0 : i32
    %dma_start3A_23 = arith.constant 0 : i32
    %dma_start3A_24 = arith.constant 0 : i32
    %dma_start3A_25 = tpu.memref_slice %arg6[%dma_start3A_20, %dma_start3A_22, %dma_start3A_23, %dma_start3A_24] : memref<4x1x32x768xf32, #tpu.memory_space<vmem>> -> memref<1x1x32x768xf32, #tpu.memory_space<vmem>>
    %dma_start3A_26 = tpu.memref_squeeze %dma_start3A_25 : memref<1x1x32x768xf32, #tpu.memory_space<vmem>> -> memref<1x32x768xf32, #tpu.memory_space<vmem>>
    %dma_start3A_27 = arith.constant 0 : i32
    %dma_start3A_28 = tpu.memref_slice %arg5[%dma_start3A_19, %dma_start3A_27] : memref<128x1xi32, #tpu.memory_space<vmem>> -> memref<1x1xi32, #tpu.memory_space<vmem>>
    %dma_start3A_29 = tpu.memref_squeeze %dma_start3A_28 : memref<1x1xi32, #tpu.memory_space<vmem>> -> memref<1xi32, #tpu.memory_space<vmem>>
    %dma_start3A_30 = arith.constant 0 : i32
    %dma_start3A_31 = arith.constant 0 : i32
    %dma_start3A_32 = arith.constant 0 : i32
    %dma_start3A_33 = tpu.memref_slice %arg2[%dma_start3A_30, %dma_start3A_31, %dma_start3A_32] : memref<1000x32x768xf32, #tpu.memory_space<hbm>> -> memref<1000x32x768xf32, #tpu.memory_space<hbm>>
    %dma_start3A_34 = tpu.memref_slice %arg7[%dma_start3A_21] : memref<4x!tpu.dma_semaphore, #tpu.memory_space<semaphore_mem>> -> memref<1x!tpu.dma_semaphore, #tpu.memory_space<semaphore_mem>>
    %dma_start3A_35 = tpu.memref_squeeze %dma_start3A_34 : memref<1x!tpu.dma_semaphore, #tpu.memory_space<semaphore_mem>> -> memref<!tpu.dma_semaphore, #tpu.memory_space<semaphore_mem>>
    tpu.enqueue_indirect_dma source(%dma_start3A_33 : memref<1000x32x768xf32, #tpu.memory_space<hbm>>) target(%dma_start3A_26 : memref<1x32x768xf32, #tpu.memory_space<vmem>>) offsets(%dma_start3A_29 : memref<1xi32, #tpu.memory_space<vmem>>) semaphore(%dma_start3A_35 : memref<!tpu.dma_semaphore, #tpu.memory_space<semaphore_mem>>)
    %dma_start3A_36 = arith.constant 2 : i32
    %dma_start3A_37 = arith.constant 2 : i32
    %dma_start3A_38 = arith.constant 2 : i32
    %dma_start3A_39 = arith.constant 0 : i32
    %dma_start3A_40 = arith.constant 0 : i32
    %dma_start3A_41 = arith.constant 0 : i32
    %dma_start3A_42 = tpu.memref_slice %arg6[%dma_start3A_37, %dma_start3A_39, %dma_start3A_40, %dma_start3A_41] : memref<4x1x32x768xf32, #tpu.memory_space<vmem>> -> memref<1x1x32x768xf32, #tpu.memory_space<vmem>>
    %dma_start3A_43 = tpu.memref_squeeze %dma_start3A_42 : memref<1x1x32x768xf32, #tpu.memory_space<vmem>> -> memref<1x32x768xf32, #tpu.memory_space<vmem>>
    %dma_start3A_44 = arith.constant 0 : i32
    %dma_start3A_45 = tpu.memref_slice %arg5[%dma_start3A_36, %dma_start3A_44] : memref<128x1xi32, #tpu.memory_space<vmem>> -> memref<1x1xi32, #tpu.memory_space<vmem>>
    %dma_start3A_46 = tpu.memref_squeeze %dma_start3A_45 : memref<1x1xi32, #tpu.memory_space<vmem>> -> memref<1xi32, #tpu.memory_space<vmem>>
    %dma_start3A_47 = arith.constant 0 : i32
    %dma_start3A_48 = arith.constant 0 : i32
    %dma_start3A_49 = arith.constant 0 : i32
    %dma_start3A_50 = tpu.memref_slice %arg2[%dma_start3A_47, %dma_start3A_48, %dma_start3A_49] : memref<1000x32x768xf32, #tpu.memory_space<hbm>> -> memref<1000x32x768xf32, #tpu.memory_space<hbm>>
    %dma_start3A_51 = tpu.memref_slice %arg7[%dma_start3A_38] : memref<4x!tpu.dma_semaphore, #tpu.memory_space<semaphore_mem>> -> memref<1x!tpu.dma_semaphore, #tpu.memory_space<semaphore_mem>>
    %dma_start3A_52 = tpu.memref_squeeze %dma_start3A_51 : memref<1x!tpu.dma_semaphore, #tpu.memory_space<semaphore_mem>> -> memref<!tpu.dma_semaphore, #tpu.memory_space<semaphore_mem>>
    tpu.enqueue_indirect_dma source(%dma_start3A_50 : memref<1000x32x768xf32, #tpu.memory_space<hbm>>) target(%dma_start3A_43 : memref<1x32x768xf32, #tpu.memory_space<vmem>>) offsets(%dma_start3A_46 : memref<1xi32, #tpu.memory_space<vmem>>) semaphore(%dma_start3A_52 : memref<!tpu.dma_semaphore, #tpu.memory_space<semaphore_mem>>)
    %scan3A = arith.constant 0 : i32
    %scan3A_53 = arith.constant 32 : i32
    %scan3A_54 = arith.addi %scan3A, %scan3A_53 : i32
    %scan3A_55 = arith.constant 1 : i32
    scf.for %scan3A_78 = %scan3A to %scan3A_54 step %scan3A_55  : i32 {
      %mul3A_79 = arith.constant 4 : i32
      %mul3A_80 = arith.muli %scan3A_78, %mul3A_79 : i32
      %add3A_81 = arith.constant 0 : i32
      %add3A_82 = arith.addi %mul3A_80, %add3A_81 : i32
      %dma_wait3A_83 = arith.constant 0 : i32
      %dma_wait3A_84 = arith.constant 0 : i32
      %dma_wait3A_85 = arith.constant 0 : i32
      %dma_wait3A_86 = arith.constant 0 : i32
      %dma_wait3A_87 = arith.constant 0 : i32
      %dma_wait3A_88 = tpu.memref_slice %arg6[%dma_wait3A_83, %dma_wait3A_85, %dma_wait3A_86, %dma_wait3A_87] : memref<4x1x32x768xf32, #tpu.memory_space<vmem>> -> memref<1x1x32x768xf32, #tpu.memory_space<vmem>>
      %dma_wait3A_89 = tpu.memref_squeeze %dma_wait3A_88 : memref<1x1x32x768xf32, #tpu.memory_space<vmem>> -> memref<1x32x768xf32, #tpu.memory_space<vmem>>
      %dma_wait3A_90 = arith.constant 0 : i32
      %dma_wait3A_91 = tpu.memref_slice %arg5[%add3A_82, %dma_wait3A_90] : memref<128x1xi32, #tpu.memory_space<vmem>> -> memref<1x1xi32, #tpu.memory_space<vmem>>
      %dma_wait3A_92 = tpu.memref_squeeze %dma_wait3A_91 : memref<1x1xi32, #tpu.memory_space<vmem>> -> memref<1xi32, #tpu.memory_space<vmem>>
      %dma_wait3A_93 = arith.constant 0 : i32
      %dma_wait3A_94 = arith.constant 0 : i32
      %dma_wait3A_95 = arith.constant 0 : i32
      %dma_wait3A_96 = tpu.memref_slice %arg2[%dma_wait3A_93, %dma_wait3A_94, %dma_wait3A_95] : memref<1000x32x768xf32, #tpu.memory_space<hbm>> -> memref<1000x32x768xf32, #tpu.memory_space<hbm>>
      %dma_wait3A_97 = tpu.memref_slice %arg7[%dma_wait3A_84] : memref<4x!tpu.dma_semaphore, #tpu.memory_space<semaphore_mem>> -> memref<1x!tpu.dma_semaphore, #tpu.memory_space<semaphore_mem>>
      %dma_wait3A_98 = tpu.memref_squeeze %dma_wait3A_97 : memref<1x!tpu.dma_semaphore, #tpu.memory_space<semaphore_mem>> -> memref<!tpu.dma_semaphore, #tpu.memory_space<semaphore_mem>>
      tpu.wait_indirect_dma semaphore(%dma_wait3A_98 : memref<!tpu.dma_semaphore, #tpu.memory_space<semaphore_mem>>) src(%dma_wait3A_96 : memref<1000x32x768xf32, #tpu.memory_space<hbm>>) dst(%dma_wait3A_89 : memref<1x32x768xf32, #tpu.memory_space<vmem>>)
      %add3A_99 = arith.addi %mul3A_2, %add3A_82 : i32
      %dma_start3A_100 = arith.constant 0 : i32
      %dma_start3A_101 = arith.constant 0 : i32
      %dma_start3A_102 = arith.constant 0 : i32
      %dma_start3A_103 = arith.constant 0 : i32
      %dma_start3A_104 = arith.constant 0 : i32
      %dma_start3A_105 = tpu.memref_slice %arg6[%dma_start3A_100, %dma_start3A_102, %dma_start3A_103, %dma_start3A_104] : memref<4x1x32x768xf32, #tpu.memory_space<vmem>> -> memref<1x1x32x768xf32, #tpu.memory_space<vmem>>
      %dma_start3A_106 = tpu.memref_squeeze %dma_start3A_105 : memref<1x1x32x768xf32, #tpu.memory_space<vmem>> -> memref<1x32x768xf32, #tpu.memory_space<vmem>>
      %dma_start3A_107 = arith.constant 0 : i32
      %dma_start3A_108 = arith.constant 0 : i32
      %dma_start3A_109 = tpu.memref_slice %arg4[%add3A_99, %dma_start3A_107, %dma_start3A_108] : memref<4096x32x768xf32, #tpu.memory_space<hbm>> -> memref<1x32x768xf32, #tpu.memory_space<hbm>>
      %dma_start3A_110 = tpu.memref_slice %arg8[%dma_start3A_101] : memref<4x!tpu.dma_semaphore, #tpu.memory_space<semaphore_mem>> -> memref<1x!tpu.dma_semaphore, #tpu.memory_space<semaphore_mem>>
      %dma_start3A_111 = tpu.memref_squeeze %dma_start3A_110 : memref<1x!tpu.dma_semaphore, #tpu.memory_space<semaphore_mem>> -> memref<!tpu.dma_semaphore, #tpu.memory_space<semaphore_mem>>
      %dma_start3A_112 = arith.constant 0 : i32
      %dma_start3A_113 = arith.constant 0 : i32
      %dma_start3A_114 = tpu.memref_slice %arg4[%add3A_99, %dma_start3A_112, %dma_start3A_113] : memref<4096x32x768xf32, #tpu.memory_space<hbm>> -> memref<1x32x768xf32, #tpu.memory_space<hbm>>
      %dma_start3A_115 = arith.constant 0 : i32
      %dma_start3A_116 = arith.constant 0 : i32
      %dma_start3A_117 = arith.constant 0 : i32
      %dma_start3A_118 = tpu.memref_slice %arg6[%dma_start3A_100, %dma_start3A_115, %dma_start3A_116, %dma_start3A_117] : memref<4x1x32x768xf32, #tpu.memory_space<vmem>> -> memref<1x1x32x768xf32, #tpu.memory_space<vmem>>
      %dma_start3A_119 = tpu.memref_squeeze %dma_start3A_118 : memref<1x1x32x768xf32, #tpu.memory_space<vmem>> -> memref<1x32x768xf32, #tpu.memory_space<vmem>>
      tpu.enqueue_dma source(%dma_start3A_119 : memref<1x32x768xf32, #tpu.memory_space<vmem>>) target(%dma_start3A_114 : memref<1x32x768xf32, #tpu.memory_space<hbm>>) target_semaphore(%dma_start3A_111 : memref<!tpu.dma_semaphore, #tpu.memory_space<semaphore_mem>>)
      %ge3A = arith.constant 1 : i32
      %ge3A_120 = arith.cmpi sge, %add3A_82, %ge3A : i32
      %convert_element_type3A = arith.extui %ge3A_120 : i1 to i32
      %cond3A = arith.constant 0 : i32
      %cond3A_121 = arith.cmpi ne, %convert_element_type3A, %cond3A : i32
      scf.if %cond3A_121 {
        %sub3A = arith.constant 1 : i32
        %sub3A_287 = arith.subi %add3A_82, %sub3A : i32
        %add3A_288 = arith.addi %mul3A_2, %sub3A_287 : i32
        %dma_wait3A_289 = arith.constant 3 : i32
        %dma_wait3A_290 = arith.constant 3 : i32
        %dma_wait3A_291 = arith.constant 0 : i32
        %dma_wait3A_292 = arith.constant 0 : i32
        %dma_wait3A_293 = arith.constant 0 : i32
        %dma_wait3A_294 = tpu.memref_slice %arg6[%dma_wait3A_289, %dma_wait3A_291, %dma_wait3A_292, %dma_wait3A_293] : memref<4x1x32x768xf32, #tpu.memory_space<vmem>> -> memref<1x1x32x768xf32, #tpu.memory_space<vmem>>
        %dma_wait3A_295 = tpu.memref_squeeze %dma_wait3A_294 : memref<1x1x32x768xf32, #tpu.memory_space<vmem>> -> memref<1x32x768xf32, #tpu.memory_space<vmem>>
        %dma_wait3A_296 = arith.constant 0 : i32
        %dma_wait3A_297 = arith.constant 0 : i32
        %dma_wait3A_298 = tpu.memref_slice %arg4[%add3A_288, %dma_wait3A_296, %dma_wait3A_297] : memref<4096x32x768xf32, #tpu.memory_space<hbm>> -> memref<1x32x768xf32, #tpu.memory_space<hbm>>
        %dma_wait3A_299 = tpu.memref_slice %arg8[%dma_wait3A_290] : memref<4x!tpu.dma_semaphore, #tpu.memory_space<semaphore_mem>> -> memref<1x!tpu.dma_semaphore, #tpu.memory_space<semaphore_mem>>
        %dma_wait3A_300 = tpu.memref_squeeze %dma_wait3A_299 : memref<1x!tpu.dma_semaphore, #tpu.memory_space<semaphore_mem>> -> memref<!tpu.dma_semaphore, #tpu.memory_space<semaphore_mem>>
        %dma_wait3A_301 = arith.constant 0 : i32
        %dma_wait3A_302 = arith.constant 0 : i32
        %dma_wait3A_303 = tpu.memref_slice %arg4[%add3A_288, %dma_wait3A_301, %dma_wait3A_302] : memref<4096x32x768xf32, #tpu.memory_space<hbm>> -> memref<1x32x768xf32, #tpu.memory_space<hbm>>
        %dma_wait3A_304 = arith.constant 0 : i32
        %dma_wait3A_305 = arith.constant 0 : i32
        %dma_wait3A_306 = arith.constant 0 : i32
        %dma_wait3A_307 = tpu.memref_slice %arg6[%dma_wait3A_289, %dma_wait3A_304, %dma_wait3A_305, %dma_wait3A_306] : memref<4x1x32x768xf32, #tpu.memory_space<vmem>> -> memref<1x1x32x768xf32, #tpu.memory_space<vmem>>
        %dma_wait3A_308 = tpu.memref_squeeze %dma_wait3A_307 : memref<1x1x32x768xf32, #tpu.memory_space<vmem>> -> memref<1x32x768xf32, #tpu.memory_space<vmem>>
        tpu.wait_dma2 semaphore(%dma_wait3A_300 : memref<!tpu.dma_semaphore, #tpu.memory_space<semaphore_mem>>) src(%dma_wait3A_308 : memref<1x32x768xf32, #tpu.memory_space<vmem>>) dst(%dma_wait3A_303 : memref<1x32x768xf32, #tpu.memory_space<hbm>>)
      } else {
      }
      %add3A_122 = arith.constant 3 : i32
      %add3A_123 = arith.addi %add3A_82, %add3A_122 : i32
      %lt3A = arith.constant 128 : i32
      %lt3A_124 = arith.cmpi slt, %add3A_123, %lt3A : i32
      %convert_element_type3A_125 = arith.extui %lt3A_124 : i1 to i32
      %cond3A_126 = arith.constant 0 : i32
      %cond3A_127 = arith.cmpi ne, %convert_element_type3A_125, %cond3A_126 : i32
      scf.if %cond3A_127 {
        %add3A_287 = arith.constant 3 : i32
        %add3A_288 = arith.addi %add3A_82, %add3A_287 : i32
        %dma_start3A_289 = arith.constant 3 : i32
        %dma_start3A_290 = arith.constant 3 : i32
        %dma_start3A_291 = arith.constant 0 : i32
        %dma_start3A_292 = arith.constant 0 : i32
        %dma_start3A_293 = arith.constant 0 : i32
        %dma_start3A_294 = tpu.memref_slice %arg6[%dma_start3A_289, %dma_start3A_291, %dma_start3A_292, %dma_start3A_293] : memref<4x1x32x768xf32, #tpu.memory_space<vmem>> -> memref<1x1x32x768xf32, #tpu.memory_space<vmem>>
        %dma_start3A_295 = tpu.memref_squeeze %dma_start3A_294 : memref<1x1x32x768xf32, #tpu.memory_space<vmem>> -> memref<1x32x768xf32, #tpu.memory_space<vmem>>
        %dma_start3A_296 = arith.constant 0 : i32
        %dma_start3A_297 = tpu.memref_slice %arg5[%add3A_288, %dma_start3A_296] : memref<128x1xi32, #tpu.memory_space<vmem>> -> memref<1x1xi32, #tpu.memory_space<vmem>>
        %dma_start3A_298 = tpu.memref_squeeze %dma_start3A_297 : memref<1x1xi32, #tpu.memory_space<vmem>> -> memref<1xi32, #tpu.memory_space<vmem>>
        %dma_start3A_299 = arith.constant 0 : i32
        %dma_start3A_300 = arith.constant 0 : i32
        %dma_start3A_301 = arith.constant 0 : i32
        %dma_start3A_302 = tpu.memref_slice %arg2[%dma_start3A_299, %dma_start3A_300, %dma_start3A_301] : memref<1000x32x768xf32, #tpu.memory_space<hbm>> -> memref<1000x32x768xf32, #tpu.memory_space<hbm>>
        %dma_start3A_303 = tpu.memref_slice %arg7[%dma_start3A_290] : memref<4x!tpu.dma_semaphore, #tpu.memory_space<semaphore_mem>> -> memref<1x!tpu.dma_semaphore, #tpu.memory_space<semaphore_mem>>
        %dma_start3A_304 = tpu.memref_squeeze %dma_start3A_303 : memref<1x!tpu.dma_semaphore, #tpu.memory_space<semaphore_mem>> -> memref<!tpu.dma_semaphore, #tpu.memory_space<semaphore_mem>>
        tpu.enqueue_indirect_dma source(%dma_start3A_302 : memref<1000x32x768xf32, #tpu.memory_space<hbm>>) target(%dma_start3A_295 : memref<1x32x768xf32, #tpu.memory_space<vmem>>) offsets(%dma_start3A_298 : memref<1xi32, #tpu.memory_space<vmem>>) semaphore(%dma_start3A_304 : memref<!tpu.dma_semaphore, #tpu.memory_space<semaphore_mem>>)
      } else {
      }
      %mul3A_128 = arith.constant 4 : i32
      %mul3A_129 = arith.muli %scan3A_78, %mul3A_128 : i32
      %add3A_130 = arith.constant 1 : i32
      %add3A_131 = arith.addi %mul3A_129, %add3A_130 : i32
      %dma_wait3A_132 = arith.constant 1 : i32
      %dma_wait3A_133 = arith.constant 1 : i32
      %dma_wait3A_134 = arith.constant 0 : i32
      %dma_wait3A_135 = arith.constant 0 : i32
      %dma_wait3A_136 = arith.constant 0 : i32
      %dma_wait3A_137 = tpu.memref_slice %arg6[%dma_wait3A_132, %dma_wait3A_134, %dma_wait3A_135, %dma_wait3A_136] : memref<4x1x32x768xf32, #tpu.memory_space<vmem>> -> memref<1x1x32x768xf32, #tpu.memory_space<vmem>>
      %dma_wait3A_138 = tpu.memref_squeeze %dma_wait3A_137 : memref<1x1x32x768xf32, #tpu.memory_space<vmem>> -> memref<1x32x768xf32, #tpu.memory_space<vmem>>
      %dma_wait3A_139 = arith.constant 0 : i32
      %dma_wait3A_140 = tpu.memref_slice %arg5[%add3A_131, %dma_wait3A_139] : memref<128x1xi32, #tpu.memory_space<vmem>> -> memref<1x1xi32, #tpu.memory_space<vmem>>
      %dma_wait3A_141 = tpu.memref_squeeze %dma_wait3A_140 : memref<1x1xi32, #tpu.memory_space<vmem>> -> memref<1xi32, #tpu.memory_space<vmem>>
      %dma_wait3A_142 = arith.constant 0 : i32
      %dma_wait3A_143 = arith.constant 0 : i32
      %dma_wait3A_144 = arith.constant 0 : i32
      %dma_wait3A_145 = tpu.memref_slice %arg2[%dma_wait3A_142, %dma_wait3A_143, %dma_wait3A_144] : memref<1000x32x768xf32, #tpu.memory_space<hbm>> -> memref<1000x32x768xf32, #tpu.memory_space<hbm>>
      %dma_wait3A_146 = tpu.memref_slice %arg7[%dma_wait3A_133] : memref<4x!tpu.dma_semaphore, #tpu.memory_space<semaphore_mem>> -> memref<1x!tpu.dma_semaphore, #tpu.memory_space<semaphore_mem>>
      %dma_wait3A_147 = tpu.memref_squeeze %dma_wait3A_146 : memref<1x!tpu.dma_semaphore, #tpu.memory_space<semaphore_mem>> -> memref<!tpu.dma_semaphore, #tpu.memory_space<semaphore_mem>>
      tpu.wait_indirect_dma semaphore(%dma_wait3A_147 : memref<!tpu.dma_semaphore, #tpu.memory_space<semaphore_mem>>) src(%dma_wait3A_145 : memref<1000x32x768xf32, #tpu.memory_space<hbm>>) dst(%dma_wait3A_138 : memref<1x32x768xf32, #tpu.memory_space<vmem>>)
      %add3A_148 = arith.addi %mul3A_2, %add3A_131 : i32
      %dma_start3A_149 = arith.constant 1 : i32
      %dma_start3A_150 = arith.constant 1 : i32
      %dma_start3A_151 = arith.constant 0 : i32
      %dma_start3A_152 = arith.constant 0 : i32
      %dma_start3A_153 = arith.constant 0 : i32
      %dma_start3A_154 = tpu.memref_slice %arg6[%dma_start3A_149, %dma_start3A_151, %dma_start3A_152, %dma_start3A_153] : memref<4x1x32x768xf32, #tpu.memory_space<vmem>> -> memref<1x1x32x768xf32, #tpu.memory_space<vmem>>
      %dma_start3A_155 = tpu.memref_squeeze %dma_start3A_154 : memref<1x1x32x768xf32, #tpu.memory_space<vmem>> -> memref<1x32x768xf32, #tpu.memory_space<vmem>>
      %dma_start3A_156 = arith.constant 0 : i32
      %dma_start3A_157 = arith.constant 0 : i32
      %dma_start3A_158 = tpu.memref_slice %arg4[%add3A_148, %dma_start3A_156, %dma_start3A_157] : memref<4096x32x768xf32, #tpu.memory_space<hbm>> -> memref<1x32x768xf32, #tpu.memory_space<hbm>>
      %dma_start3A_159 = tpu.memref_slice %arg8[%dma_start3A_150] : memref<4x!tpu.dma_semaphore, #tpu.memory_space<semaphore_mem>> -> memref<1x!tpu.dma_semaphore, #tpu.memory_space<semaphore_mem>>
      %dma_start3A_160 = tpu.memref_squeeze %dma_start3A_159 : memref<1x!tpu.dma_semaphore, #tpu.memory_space<semaphore_mem>> -> memref<!tpu.dma_semaphore, #tpu.memory_space<semaphore_mem>>
      %dma_start3A_161 = arith.constant 0 : i32
      %dma_start3A_162 = arith.constant 0 : i32
      %dma_start3A_163 = tpu.memref_slice %arg4[%add3A_148, %dma_start3A_161, %dma_start3A_162] : memref<4096x32x768xf32, #tpu.memory_space<hbm>> -> memref<1x32x768xf32, #tpu.memory_space<hbm>>
      %dma_start3A_164 = arith.constant 0 : i32
      %dma_start3A_165 = arith.constant 0 : i32
      %dma_start3A_166 = arith.constant 0 : i32
      %dma_start3A_167 = tpu.memref_slice %arg6[%dma_start3A_149, %dma_start3A_164, %dma_start3A_165, %dma_start3A_166] : memref<4x1x32x768xf32, #tpu.memory_space<vmem>> -> memref<1x1x32x768xf32, #tpu.memory_space<vmem>>
      %dma_start3A_168 = tpu.memref_squeeze %dma_start3A_167 : memref<1x1x32x768xf32, #tpu.memory_space<vmem>> -> memref<1x32x768xf32, #tpu.memory_space<vmem>>
      tpu.enqueue_dma source(%dma_start3A_168 : memref<1x32x768xf32, #tpu.memory_space<vmem>>) target(%dma_start3A_163 : memref<1x32x768xf32, #tpu.memory_space<hbm>>) target_semaphore(%dma_start3A_160 : memref<!tpu.dma_semaphore, #tpu.memory_space<semaphore_mem>>)
      %ge3A_169 = arith.constant 1 : i32
      %ge3A_170 = arith.cmpi sge, %add3A_131, %ge3A_169 : i32
      %convert_element_type3A_171 = arith.extui %ge3A_170 : i1 to i32
      %cond3A_172 = arith.constant 0 : i32
      %cond3A_173 = arith.cmpi ne, %convert_element_type3A_171, %cond3A_172 : i32
      scf.if %cond3A_173 {
        %sub3A = arith.constant 1 : i32
        %sub3A_287 = arith.subi %add3A_131, %sub3A : i32
        %add3A_288 = arith.addi %mul3A_2, %sub3A_287 : i32
        %dma_wait3A_289 = arith.constant 0 : i32
        %dma_wait3A_290 = arith.constant 0 : i32
        %dma_wait3A_291 = arith.constant 0 : i32
        %dma_wait3A_292 = arith.constant 0 : i32
        %dma_wait3A_293 = arith.constant 0 : i32
        %dma_wait3A_294 = tpu.memref_slice %arg6[%dma_wait3A_289, %dma_wait3A_291, %dma_wait3A_292, %dma_wait3A_293] : memref<4x1x32x768xf32, #tpu.memory_space<vmem>> -> memref<1x1x32x768xf32, #tpu.memory_space<vmem>>
        %dma_wait3A_295 = tpu.memref_squeeze %dma_wait3A_294 : memref<1x1x32x768xf32, #tpu.memory_space<vmem>> -> memref<1x32x768xf32, #tpu.memory_space<vmem>>
        %dma_wait3A_296 = arith.constant 0 : i32
        %dma_wait3A_297 = arith.constant 0 : i32
        %dma_wait3A_298 = tpu.memref_slice %arg4[%add3A_288, %dma_wait3A_296, %dma_wait3A_297] : memref<4096x32x768xf32, #tpu.memory_space<hbm>> -> memref<1x32x768xf32, #tpu.memory_space<hbm>>
        %dma_wait3A_299 = tpu.memref_slice %arg8[%dma_wait3A_290] : memref<4x!tpu.dma_semaphore, #tpu.memory_space<semaphore_mem>> -> memref<1x!tpu.dma_semaphore, #tpu.memory_space<semaphore_mem>>
        %dma_wait3A_300 = tpu.memref_squeeze %dma_wait3A_299 : memref<1x!tpu.dma_semaphore, #tpu.memory_space<semaphore_mem>> -> memref<!tpu.dma_semaphore, #tpu.memory_space<semaphore_mem>>
        %dma_wait3A_301 = arith.constant 0 : i32
        %dma_wait3A_302 = arith.constant 0 : i32
        %dma_wait3A_303 = tpu.memref_slice %arg4[%add3A_288, %dma_wait3A_301, %dma_wait3A_302] : memref<4096x32x768xf32, #tpu.memory_space<hbm>> -> memref<1x32x768xf32, #tpu.memory_space<hbm>>
        %dma_wait3A_304 = arith.constant 0 : i32
        %dma_wait3A_305 = arith.constant 0 : i32
        %dma_wait3A_306 = arith.constant 0 : i32
        %dma_wait3A_307 = tpu.memref_slice %arg6[%dma_wait3A_289, %dma_wait3A_304, %dma_wait3A_305, %dma_wait3A_306] : memref<4x1x32x768xf32, #tpu.memory_space<vmem>> -> memref<1x1x32x768xf32, #tpu.memory_space<vmem>>
        %dma_wait3A_308 = tpu.memref_squeeze %dma_wait3A_307 : memref<1x1x32x768xf32, #tpu.memory_space<vmem>> -> memref<1x32x768xf32, #tpu.memory_space<vmem>>
        tpu.wait_dma2 semaphore(%dma_wait3A_300 : memref<!tpu.dma_semaphore, #tpu.memory_space<semaphore_mem>>) src(%dma_wait3A_308 : memref<1x32x768xf32, #tpu.memory_space<vmem>>) dst(%dma_wait3A_303 : memref<1x32x768xf32, #tpu.memory_space<hbm>>)
      } else {
      }
      %add3A_174 = arith.constant 3 : i32
      %add3A_175 = arith.addi %add3A_131, %add3A_174 : i32
      %lt3A_176 = arith.constant 128 : i32
      %lt3A_177 = arith.cmpi slt, %add3A_175, %lt3A_176 : i32
      %convert_element_type3A_178 = arith.extui %lt3A_177 : i1 to i32
      %cond3A_179 = arith.constant 0 : i32
      %cond3A_180 = arith.cmpi ne, %convert_element_type3A_178, %cond3A_179 : i32
      scf.if %cond3A_180 {
        %add3A_287 = arith.constant 3 : i32
        %add3A_288 = arith.addi %add3A_131, %add3A_287 : i32
        %dma_start3A_289 = arith.constant 0 : i32
        %dma_start3A_290 = arith.constant 0 : i32
        %dma_start3A_291 = arith.constant 0 : i32
        %dma_start3A_292 = arith.constant 0 : i32
        %dma_start3A_293 = arith.constant 0 : i32
        %dma_start3A_294 = tpu.memref_slice %arg6[%dma_start3A_289, %dma_start3A_291, %dma_start3A_292, %dma_start3A_293] : memref<4x1x32x768xf32, #tpu.memory_space<vmem>> -> memref<1x1x32x768xf32, #tpu.memory_space<vmem>>
        %dma_start3A_295 = tpu.memref_squeeze %dma_start3A_294 : memref<1x1x32x768xf32, #tpu.memory_space<vmem>> -> memref<1x32x768xf32, #tpu.memory_space<vmem>>
        %dma_start3A_296 = arith.constant 0 : i32
        %dma_start3A_297 = tpu.memref_slice %arg5[%add3A_288, %dma_start3A_296] : memref<128x1xi32, #tpu.memory_space<vmem>> -> memref<1x1xi32, #tpu.memory_space<vmem>>
        %dma_start3A_298 = tpu.memref_squeeze %dma_start3A_297 : memref<1x1xi32, #tpu.memory_space<vmem>> -> memref<1xi32, #tpu.memory_space<vmem>>
        %dma_start3A_299 = arith.constant 0 : i32
        %dma_start3A_300 = arith.constant 0 : i32
        %dma_start3A_301 = arith.constant 0 : i32
        %dma_start3A_302 = tpu.memref_slice %arg2[%dma_start3A_299, %dma_start3A_300, %dma_start3A_301] : memref<1000x32x768xf32, #tpu.memory_space<hbm>> -> memref<1000x32x768xf32, #tpu.memory_space<hbm>>
        %dma_start3A_303 = tpu.memref_slice %arg7[%dma_start3A_290] : memref<4x!tpu.dma_semaphore, #tpu.memory_space<semaphore_mem>> -> memref<1x!tpu.dma_semaphore, #tpu.memory_space<semaphore_mem>>
        %dma_start3A_304 = tpu.memref_squeeze %dma_start3A_303 : memref<1x!tpu.dma_semaphore, #tpu.memory_space<semaphore_mem>> -> memref<!tpu.dma_semaphore, #tpu.memory_space<semaphore_mem>>
        tpu.enqueue_indirect_dma source(%dma_start3A_302 : memref<1000x32x768xf32, #tpu.memory_space<hbm>>) target(%dma_start3A_295 : memref<1x32x768xf32, #tpu.memory_space<vmem>>) offsets(%dma_start3A_298 : memref<1xi32, #tpu.memory_space<vmem>>) semaphore(%dma_start3A_304 : memref<!tpu.dma_semaphore, #tpu.memory_space<semaphore_mem>>)
      } else {
      }
      %mul3A_181 = arith.constant 4 : i32
      %mul3A_182 = arith.muli %scan3A_78, %mul3A_181 : i32
      %add3A_183 = arith.constant 2 : i32
      %add3A_184 = arith.addi %mul3A_182, %add3A_183 : i32
      %dma_wait3A_185 = arith.constant 2 : i32
      %dma_wait3A_186 = arith.constant 2 : i32
      %dma_wait3A_187 = arith.constant 0 : i32
      %dma_wait3A_188 = arith.constant 0 : i32
      %dma_wait3A_189 = arith.constant 0 : i32
      %dma_wait3A_190 = tpu.memref_slice %arg6[%dma_wait3A_185, %dma_wait3A_187, %dma_wait3A_188, %dma_wait3A_189] : memref<4x1x32x768xf32, #tpu.memory_space<vmem>> -> memref<1x1x32x768xf32, #tpu.memory_space<vmem>>
      %dma_wait3A_191 = tpu.memref_squeeze %dma_wait3A_190 : memref<1x1x32x768xf32, #tpu.memory_space<vmem>> -> memref<1x32x768xf32, #tpu.memory_space<vmem>>
      %dma_wait3A_192 = arith.constant 0 : i32
      %dma_wait3A_193 = tpu.memref_slice %arg5[%add3A_184, %dma_wait3A_192] : memref<128x1xi32, #tpu.memory_space<vmem>> -> memref<1x1xi32, #tpu.memory_space<vmem>>
      %dma_wait3A_194 = tpu.memref_squeeze %dma_wait3A_193 : memref<1x1xi32, #tpu.memory_space<vmem>> -> memref<1xi32, #tpu.memory_space<vmem>>
      %dma_wait3A_195 = arith.constant 0 : i32
      %dma_wait3A_196 = arith.constant 0 : i32
      %dma_wait3A_197 = arith.constant 0 : i32
      %dma_wait3A_198 = tpu.memref_slice %arg2[%dma_wait3A_195, %dma_wait3A_196, %dma_wait3A_197] : memref<1000x32x768xf32, #tpu.memory_space<hbm>> -> memref<1000x32x768xf32, #tpu.memory_space<hbm>>
      %dma_wait3A_199 = tpu.memref_slice %arg7[%dma_wait3A_186] : memref<4x!tpu.dma_semaphore, #tpu.memory_space<semaphore_mem>> -> memref<1x!tpu.dma_semaphore, #tpu.memory_space<semaphore_mem>>
      %dma_wait3A_200 = tpu.memref_squeeze %dma_wait3A_199 : memref<1x!tpu.dma_semaphore, #tpu.memory_space<semaphore_mem>> -> memref<!tpu.dma_semaphore, #tpu.memory_space<semaphore_mem>>
      tpu.wait_indirect_dma semaphore(%dma_wait3A_200 : memref<!tpu.dma_semaphore, #tpu.memory_space<semaphore_mem>>) src(%dma_wait3A_198 : memref<1000x32x768xf32, #tpu.memory_space<hbm>>) dst(%dma_wait3A_191 : memref<1x32x768xf32, #tpu.memory_space<vmem>>)
      %add3A_201 = arith.addi %mul3A_2, %add3A_184 : i32
      %dma_start3A_202 = arith.constant 2 : i32
      %dma_start3A_203 = arith.constant 2 : i32
      %dma_start3A_204 = arith.constant 0 : i32
      %dma_start3A_205 = arith.constant 0 : i32
      %dma_start3A_206 = arith.constant 0 : i32
      %dma_start3A_207 = tpu.memref_slice %arg6[%dma_start3A_202, %dma_start3A_204, %dma_start3A_205, %dma_start3A_206] : memref<4x1x32x768xf32, #tpu.memory_space<vmem>> -> memref<1x1x32x768xf32, #tpu.memory_space<vmem>>
      %dma_start3A_208 = tpu.memref_squeeze %dma_start3A_207 : memref<1x1x32x768xf32, #tpu.memory_space<vmem>> -> memref<1x32x768xf32, #tpu.memory_space<vmem>>
      %dma_start3A_209 = arith.constant 0 : i32
      %dma_start3A_210 = arith.constant 0 : i32
      %dma_start3A_211 = tpu.memref_slice %arg4[%add3A_201, %dma_start3A_209, %dma_start3A_210] : memref<4096x32x768xf32, #tpu.memory_space<hbm>> -> memref<1x32x768xf32, #tpu.memory_space<hbm>>
      %dma_start3A_212 = tpu.memref_slice %arg8[%dma_start3A_203] : memref<4x!tpu.dma_semaphore, #tpu.memory_space<semaphore_mem>> -> memref<1x!tpu.dma_semaphore, #tpu.memory_space<semaphore_mem>>
      %dma_start3A_213 = tpu.memref_squeeze %dma_start3A_212 : memref<1x!tpu.dma_semaphore, #tpu.memory_space<semaphore_mem>> -> memref<!tpu.dma_semaphore, #tpu.memory_space<semaphore_mem>>
      %dma_start3A_214 = arith.constant 0 : i32
      %dma_start3A_215 = arith.constant 0 : i32
      %dma_start3A_216 = tpu.memref_slice %arg4[%add3A_201, %dma_start3A_214, %dma_start3A_215] : memref<4096x32x768xf32, #tpu.memory_space<hbm>> -> memref<1x32x768xf32, #tpu.memory_space<hbm>>
      %dma_start3A_217 = arith.constant 0 : i32
      %dma_start3A_218 = arith.constant 0 : i32
      %dma_start3A_219 = arith.constant 0 : i32
      %dma_start3A_220 = tpu.memref_slice %arg6[%dma_start3A_202, %dma_start3A_217, %dma_start3A_218, %dma_start3A_219] : memref<4x1x32x768xf32, #tpu.memory_space<vmem>> -> memref<1x1x32x768xf32, #tpu.memory_space<vmem>>
      %dma_start3A_221 = tpu.memref_squeeze %dma_start3A_220 : memref<1x1x32x768xf32, #tpu.memory_space<vmem>> -> memref<1x32x768xf32, #tpu.memory_space<vmem>>
      tpu.enqueue_dma source(%dma_start3A_221 : memref<1x32x768xf32, #tpu.memory_space<vmem>>) target(%dma_start3A_216 : memref<1x32x768xf32, #tpu.memory_space<hbm>>) target_semaphore(%dma_start3A_213 : memref<!tpu.dma_semaphore, #tpu.memory_space<semaphore_mem>>)
      %ge3A_222 = arith.constant 1 : i32
      %ge3A_223 = arith.cmpi sge, %add3A_184, %ge3A_222 : i32
      %convert_element_type3A_224 = arith.extui %ge3A_223 : i1 to i32
      %cond3A_225 = arith.constant 0 : i32
      %cond3A_226 = arith.cmpi ne, %convert_element_type3A_224, %cond3A_225 : i32
      scf.if %cond3A_226 {
        %sub3A = arith.constant 1 : i32
        %sub3A_287 = arith.subi %add3A_184, %sub3A : i32
        %add3A_288 = arith.addi %mul3A_2, %sub3A_287 : i32
        %dma_wait3A_289 = arith.constant 1 : i32
        %dma_wait3A_290 = arith.constant 1 : i32
        %dma_wait3A_291 = arith.constant 0 : i32
        %dma_wait3A_292 = arith.constant 0 : i32
        %dma_wait3A_293 = arith.constant 0 : i32
        %dma_wait3A_294 = tpu.memref_slice %arg6[%dma_wait3A_289, %dma_wait3A_291, %dma_wait3A_292, %dma_wait3A_293] : memref<4x1x32x768xf32, #tpu.memory_space<vmem>> -> memref<1x1x32x768xf32, #tpu.memory_space<vmem>>
        %dma_wait3A_295 = tpu.memref_squeeze %dma_wait3A_294 : memref<1x1x32x768xf32, #tpu.memory_space<vmem>> -> memref<1x32x768xf32, #tpu.memory_space<vmem>>
        %dma_wait3A_296 = arith.constant 0 : i32
        %dma_wait3A_297 = arith.constant 0 : i32
        %dma_wait3A_298 = tpu.memref_slice %arg4[%add3A_288, %dma_wait3A_296, %dma_wait3A_297] : memref<4096x32x768xf32, #tpu.memory_space<hbm>> -> memref<1x32x768xf32, #tpu.memory_space<hbm>>
        %dma_wait3A_299 = tpu.memref_slice %arg8[%dma_wait3A_290] : memref<4x!tpu.dma_semaphore, #tpu.memory_space<semaphore_mem>> -> memref<1x!tpu.dma_semaphore, #tpu.memory_space<semaphore_mem>>
        %dma_wait3A_300 = tpu.memref_squeeze %dma_wait3A_299 : memref<1x!tpu.dma_semaphore, #tpu.memory_space<semaphore_mem>> -> memref<!tpu.dma_semaphore, #tpu.memory_space<semaphore_mem>>
        %dma_wait3A_301 = arith.constant 0 : i32
        %dma_wait3A_302 = arith.constant 0 : i32
        %dma_wait3A_303 = tpu.memref_slice %arg4[%add3A_288, %dma_wait3A_301, %dma_wait3A_302] : memref<4096x32x768xf32, #tpu.memory_space<hbm>> -> memref<1x32x768xf32, #tpu.memory_space<hbm>>
        %dma_wait3A_304 = arith.constant 0 : i32
        %dma_wait3A_305 = arith.constant 0 : i32
        %dma_wait3A_306 = arith.constant 0 : i32
        %dma_wait3A_307 = tpu.memref_slice %arg6[%dma_wait3A_289, %dma_wait3A_304, %dma_wait3A_305, %dma_wait3A_306] : memref<4x1x32x768xf32, #tpu.memory_space<vmem>> -> memref<1x1x32x768xf32, #tpu.memory_space<vmem>>
        %dma_wait3A_308 = tpu.memref_squeeze %dma_wait3A_307 : memref<1x1x32x768xf32, #tpu.memory_space<vmem>> -> memref<1x32x768xf32, #tpu.memory_space<vmem>>
        tpu.wait_dma2 semaphore(%dma_wait3A_300 : memref<!tpu.dma_semaphore, #tpu.memory_space<semaphore_mem>>) src(%dma_wait3A_308 : memref<1x32x768xf32, #tpu.memory_space<vmem>>) dst(%dma_wait3A_303 : memref<1x32x768xf32, #tpu.memory_space<hbm>>)
      } else {
      }
      %add3A_227 = arith.constant 3 : i32
      %add3A_228 = arith.addi %add3A_184, %add3A_227 : i32
      %lt3A_229 = arith.constant 128 : i32
      %lt3A_230 = arith.cmpi slt, %add3A_228, %lt3A_229 : i32
      %convert_element_type3A_231 = arith.extui %lt3A_230 : i1 to i32
      %cond3A_232 = arith.constant 0 : i32
      %cond3A_233 = arith.cmpi ne, %convert_element_type3A_231, %cond3A_232 : i32
      scf.if %cond3A_233 {
        %add3A_287 = arith.constant 3 : i32
        %add3A_288 = arith.addi %add3A_184, %add3A_287 : i32
        %dma_start3A_289 = arith.constant 1 : i32
        %dma_start3A_290 = arith.constant 1 : i32
        %dma_start3A_291 = arith.constant 0 : i32
        %dma_start3A_292 = arith.constant 0 : i32
        %dma_start3A_293 = arith.constant 0 : i32
        %dma_start3A_294 = tpu.memref_slice %arg6[%dma_start3A_289, %dma_start3A_291, %dma_start3A_292, %dma_start3A_293] : memref<4x1x32x768xf32, #tpu.memory_space<vmem>> -> memref<1x1x32x768xf32, #tpu.memory_space<vmem>>
        %dma_start3A_295 = tpu.memref_squeeze %dma_start3A_294 : memref<1x1x32x768xf32, #tpu.memory_space<vmem>> -> memref<1x32x768xf32, #tpu.memory_space<vmem>>
        %dma_start3A_296 = arith.constant 0 : i32
        %dma_start3A_297 = tpu.memref_slice %arg5[%add3A_288, %dma_start3A_296] : memref<128x1xi32, #tpu.memory_space<vmem>> -> memref<1x1xi32, #tpu.memory_space<vmem>>
        %dma_start3A_298 = tpu.memref_squeeze %dma_start3A_297 : memref<1x1xi32, #tpu.memory_space<vmem>> -> memref<1xi32, #tpu.memory_space<vmem>>
        %dma_start3A_299 = arith.constant 0 : i32
        %dma_start3A_300 = arith.constant 0 : i32
        %dma_start3A_301 = arith.constant 0 : i32
        %dma_start3A_302 = tpu.memref_slice %arg2[%dma_start3A_299, %dma_start3A_300, %dma_start3A_301] : memref<1000x32x768xf32, #tpu.memory_space<hbm>> -> memref<1000x32x768xf32, #tpu.memory_space<hbm>>
        %dma_start3A_303 = tpu.memref_slice %arg7[%dma_start3A_290] : memref<4x!tpu.dma_semaphore, #tpu.memory_space<semaphore_mem>> -> memref<1x!tpu.dma_semaphore, #tpu.memory_space<semaphore_mem>>
        %dma_start3A_304 = tpu.memref_squeeze %dma_start3A_303 : memref<1x!tpu.dma_semaphore, #tpu.memory_space<semaphore_mem>> -> memref<!tpu.dma_semaphore, #tpu.memory_space<semaphore_mem>>
        tpu.enqueue_indirect_dma source(%dma_start3A_302 : memref<1000x32x768xf32, #tpu.memory_space<hbm>>) target(%dma_start3A_295 : memref<1x32x768xf32, #tpu.memory_space<vmem>>) offsets(%dma_start3A_298 : memref<1xi32, #tpu.memory_space<vmem>>) semaphore(%dma_start3A_304 : memref<!tpu.dma_semaphore, #tpu.memory_space<semaphore_mem>>)
      } else {
      }
      %mul3A_234 = arith.constant 4 : i32
      %mul3A_235 = arith.muli %scan3A_78, %mul3A_234 : i32
      %add3A_236 = arith.constant 3 : i32
      %add3A_237 = arith.addi %mul3A_235, %add3A_236 : i32
      %dma_wait3A_238 = arith.constant 3 : i32
      %dma_wait3A_239 = arith.constant 3 : i32
      %dma_wait3A_240 = arith.constant 0 : i32
      %dma_wait3A_241 = arith.constant 0 : i32
      %dma_wait3A_242 = arith.constant 0 : i32
      %dma_wait3A_243 = tpu.memref_slice %arg6[%dma_wait3A_238, %dma_wait3A_240, %dma_wait3A_241, %dma_wait3A_242] : memref<4x1x32x768xf32, #tpu.memory_space<vmem>> -> memref<1x1x32x768xf32, #tpu.memory_space<vmem>>
      %dma_wait3A_244 = tpu.memref_squeeze %dma_wait3A_243 : memref<1x1x32x768xf32, #tpu.memory_space<vmem>> -> memref<1x32x768xf32, #tpu.memory_space<vmem>>
      %dma_wait3A_245 = arith.constant 0 : i32
      %dma_wait3A_246 = tpu.memref_slice %arg5[%add3A_237, %dma_wait3A_245] : memref<128x1xi32, #tpu.memory_space<vmem>> -> memref<1x1xi32, #tpu.memory_space<vmem>>
      %dma_wait3A_247 = tpu.memref_squeeze %dma_wait3A_246 : memref<1x1xi32, #tpu.memory_space<vmem>> -> memref<1xi32, #tpu.memory_space<vmem>>
      %dma_wait3A_248 = arith.constant 0 : i32
      %dma_wait3A_249 = arith.constant 0 : i32
      %dma_wait3A_250 = arith.constant 0 : i32
      %dma_wait3A_251 = tpu.memref_slice %arg2[%dma_wait3A_248, %dma_wait3A_249, %dma_wait3A_250] : memref<1000x32x768xf32, #tpu.memory_space<hbm>> -> memref<1000x32x768xf32, #tpu.memory_space<hbm>>
      %dma_wait3A_252 = tpu.memref_slice %arg7[%dma_wait3A_239] : memref<4x!tpu.dma_semaphore, #tpu.memory_space<semaphore_mem>> -> memref<1x!tpu.dma_semaphore, #tpu.memory_space<semaphore_mem>>
      %dma_wait3A_253 = tpu.memref_squeeze %dma_wait3A_252 : memref<1x!tpu.dma_semaphore, #tpu.memory_space<semaphore_mem>> -> memref<!tpu.dma_semaphore, #tpu.memory_space<semaphore_mem>>
      tpu.wait_indirect_dma semaphore(%dma_wait3A_253 : memref<!tpu.dma_semaphore, #tpu.memory_space<semaphore_mem>>) src(%dma_wait3A_251 : memref<1000x32x768xf32, #tpu.memory_space<hbm>>) dst(%dma_wait3A_244 : memref<1x32x768xf32, #tpu.memory_space<vmem>>)
      %add3A_254 = arith.addi %mul3A_2, %add3A_237 : i32
      %dma_start3A_255 = arith.constant 3 : i32
      %dma_start3A_256 = arith.constant 3 : i32
      %dma_start3A_257 = arith.constant 0 : i32
      %dma_start3A_258 = arith.constant 0 : i32
      %dma_start3A_259 = arith.constant 0 : i32
      %dma_start3A_260 = tpu.memref_slice %arg6[%dma_start3A_255, %dma_start3A_257, %dma_start3A_258, %dma_start3A_259] : memref<4x1x32x768xf32, #tpu.memory_space<vmem>> -> memref<1x1x32x768xf32, #tpu.memory_space<vmem>>
      %dma_start3A_261 = tpu.memref_squeeze %dma_start3A_260 : memref<1x1x32x768xf32, #tpu.memory_space<vmem>> -> memref<1x32x768xf32, #tpu.memory_space<vmem>>
      %dma_start3A_262 = arith.constant 0 : i32
      %dma_start3A_263 = arith.constant 0 : i32
      %dma_start3A_264 = tpu.memref_slice %arg4[%add3A_254, %dma_start3A_262, %dma_start3A_263] : memref<4096x32x768xf32, #tpu.memory_space<hbm>> -> memref<1x32x768xf32, #tpu.memory_space<hbm>>
      %dma_start3A_265 = tpu.memref_slice %arg8[%dma_start3A_256] : memref<4x!tpu.dma_semaphore, #tpu.memory_space<semaphore_mem>> -> memref<1x!tpu.dma_semaphore, #tpu.memory_space<semaphore_mem>>
      %dma_start3A_266 = tpu.memref_squeeze %dma_start3A_265 : memref<1x!tpu.dma_semaphore, #tpu.memory_space<semaphore_mem>> -> memref<!tpu.dma_semaphore, #tpu.memory_space<semaphore_mem>>
      %dma_start3A_267 = arith.constant 0 : i32
      %dma_start3A_268 = arith.constant 0 : i32
      %dma_start3A_269 = tpu.memref_slice %arg4[%add3A_254, %dma_start3A_267, %dma_start3A_268] : memref<4096x32x768xf32, #tpu.memory_space<hbm>> -> memref<1x32x768xf32, #tpu.memory_space<hbm>>
      %dma_start3A_270 = arith.constant 0 : i32
      %dma_start3A_271 = arith.constant 0 : i32
      %dma_start3A_272 = arith.constant 0 : i32
      %dma_start3A_273 = tpu.memref_slice %arg6[%dma_start3A_255, %dma_start3A_270, %dma_start3A_271, %dma_start3A_272] : memref<4x1x32x768xf32, #tpu.memory_space<vmem>> -> memref<1x1x32x768xf32, #tpu.memory_space<vmem>>
      %dma_start3A_274 = tpu.memref_squeeze %dma_start3A_273 : memref<1x1x32x768xf32, #tpu.memory_space<vmem>> -> memref<1x32x768xf32, #tpu.memory_space<vmem>>
      tpu.enqueue_dma source(%dma_start3A_274 : memref<1x32x768xf32, #tpu.memory_space<vmem>>) target(%dma_start3A_269 : memref<1x32x768xf32, #tpu.memory_space<hbm>>) target_semaphore(%dma_start3A_266 : memref<!tpu.dma_semaphore, #tpu.memory_space<semaphore_mem>>)
      %ge3A_275 = arith.constant 1 : i32
      %ge3A_276 = arith.cmpi sge, %add3A_237, %ge3A_275 : i32
      %convert_element_type3A_277 = arith.extui %ge3A_276 : i1 to i32
      %cond3A_278 = arith.constant 0 : i32
      %cond3A_279 = arith.cmpi ne, %convert_element_type3A_277, %cond3A_278 : i32
      scf.if %cond3A_279 {
        %sub3A = arith.constant 1 : i32
        %sub3A_287 = arith.subi %add3A_237, %sub3A : i32
        %add3A_288 = arith.addi %mul3A_2, %sub3A_287 : i32
        %dma_wait3A_289 = arith.constant 2 : i32
        %dma_wait3A_290 = arith.constant 2 : i32
        %dma_wait3A_291 = arith.constant 0 : i32
        %dma_wait3A_292 = arith.constant 0 : i32
        %dma_wait3A_293 = arith.constant 0 : i32
        %dma_wait3A_294 = tpu.memref_slice %arg6[%dma_wait3A_289, %dma_wait3A_291, %dma_wait3A_292, %dma_wait3A_293] : memref<4x1x32x768xf32, #tpu.memory_space<vmem>> -> memref<1x1x32x768xf32, #tpu.memory_space<vmem>>
        %dma_wait3A_295 = tpu.memref_squeeze %dma_wait3A_294 : memref<1x1x32x768xf32, #tpu.memory_space<vmem>> -> memref<1x32x768xf32, #tpu.memory_space<vmem>>
        %dma_wait3A_296 = arith.constant 0 : i32
        %dma_wait3A_297 = arith.constant 0 : i32
        %dma_wait3A_298 = tpu.memref_slice %arg4[%add3A_288, %dma_wait3A_296, %dma_wait3A_297] : memref<4096x32x768xf32, #tpu.memory_space<hbm>> -> memref<1x32x768xf32, #tpu.memory_space<hbm>>
        %dma_wait3A_299 = tpu.memref_slice %arg8[%dma_wait3A_290] : memref<4x!tpu.dma_semaphore, #tpu.memory_space<semaphore_mem>> -> memref<1x!tpu.dma_semaphore, #tpu.memory_space<semaphore_mem>>
        %dma_wait3A_300 = tpu.memref_squeeze %dma_wait3A_299 : memref<1x!tpu.dma_semaphore, #tpu.memory_space<semaphore_mem>> -> memref<!tpu.dma_semaphore, #tpu.memory_space<semaphore_mem>>
        %dma_wait3A_301 = arith.constant 0 : i32
        %dma_wait3A_302 = arith.constant 0 : i32
        %dma_wait3A_303 = tpu.memref_slice %arg4[%add3A_288, %dma_wait3A_301, %dma_wait3A_302] : memref<4096x32x768xf32, #tpu.memory_space<hbm>> -> memref<1x32x768xf32, #tpu.memory_space<hbm>>
        %dma_wait3A_304 = arith.constant 0 : i32
        %dma_wait3A_305 = arith.constant 0 : i32
        %dma_wait3A_306 = arith.constant 0 : i32
        %dma_wait3A_307 = tpu.memref_slice %arg6[%dma_wait3A_289, %dma_wait3A_304, %dma_wait3A_305, %dma_wait3A_306] : memref<4x1x32x768xf32, #tpu.memory_space<vmem>> -> memref<1x1x32x768xf32, #tpu.memory_space<vmem>>
        %dma_wait3A_308 = tpu.memref_squeeze %dma_wait3A_307 : memref<1x1x32x768xf32, #tpu.memory_space<vmem>> -> memref<1x32x768xf32, #tpu.memory_space<vmem>>
        tpu.wait_dma2 semaphore(%dma_wait3A_300 : memref<!tpu.dma_semaphore, #tpu.memory_space<semaphore_mem>>) src(%dma_wait3A_308 : memref<1x32x768xf32, #tpu.memory_space<vmem>>) dst(%dma_wait3A_303 : memref<1x32x768xf32, #tpu.memory_space<hbm>>)
      } else {
      }
      %add3A_280 = arith.constant 3 : i32
      %add3A_281 = arith.addi %add3A_237, %add3A_280 : i32
      %lt3A_282 = arith.constant 128 : i32
      %lt3A_283 = arith.cmpi slt, %add3A_281, %lt3A_282 : i32
      %convert_element_type3A_284 = arith.extui %lt3A_283 : i1 to i32
      %cond3A_285 = arith.constant 0 : i32
      %cond3A_286 = arith.cmpi ne, %convert_element_type3A_284, %cond3A_285 : i32
      scf.if %cond3A_286 {
        %add3A_287 = arith.constant 3 : i32
        %add3A_288 = arith.addi %add3A_237, %add3A_287 : i32
        %dma_start3A_289 = arith.constant 2 : i32
        %dma_start3A_290 = arith.constant 2 : i32
        %dma_start3A_291 = arith.constant 0 : i32
        %dma_start3A_292 = arith.constant 0 : i32
        %dma_start3A_293 = arith.constant 0 : i32
        %dma_start3A_294 = tpu.memref_slice %arg6[%dma_start3A_289, %dma_start3A_291, %dma_start3A_292, %dma_start3A_293] : memref<4x1x32x768xf32, #tpu.memory_space<vmem>> -> memref<1x1x32x768xf32, #tpu.memory_space<vmem>>
        %dma_start3A_295 = tpu.memref_squeeze %dma_start3A_294 : memref<1x1x32x768xf32, #tpu.memory_space<vmem>> -> memref<1x32x768xf32, #tpu.memory_space<vmem>>
        %dma_start3A_296 = arith.constant 0 : i32
        %dma_start3A_297 = tpu.memref_slice %arg5[%add3A_288, %dma_start3A_296] : memref<128x1xi32, #tpu.memory_space<vmem>> -> memref<1x1xi32, #tpu.memory_space<vmem>>
        %dma_start3A_298 = tpu.memref_squeeze %dma_start3A_297 : memref<1x1xi32, #tpu.memory_space<vmem>> -> memref<1xi32, #tpu.memory_space<vmem>>
        %dma_start3A_299 = arith.constant 0 : i32
        %dma_start3A_300 = arith.constant 0 : i32
        %dma_start3A_301 = arith.constant 0 : i32
        %dma_start3A_302 = tpu.memref_slice %arg2[%dma_start3A_299, %dma_start3A_300, %dma_start3A_301] : memref<1000x32x768xf32, #tpu.memory_space<hbm>> -> memref<1000x32x768xf32, #tpu.memory_space<hbm>>
        %dma_start3A_303 = tpu.memref_slice %arg7[%dma_start3A_290] : memref<4x!tpu.dma_semaphore, #tpu.memory_space<semaphore_mem>> -> memref<1x!tpu.dma_semaphore, #tpu.memory_space<semaphore_mem>>
        %dma_start3A_304 = tpu.memref_squeeze %dma_start3A_303 : memref<1x!tpu.dma_semaphore, #tpu.memory_space<semaphore_mem>> -> memref<!tpu.dma_semaphore, #tpu.memory_space<semaphore_mem>>
        tpu.enqueue_indirect_dma source(%dma_start3A_302 : memref<1000x32x768xf32, #tpu.memory_space<hbm>>) target(%dma_start3A_295 : memref<1x32x768xf32, #tpu.memory_space<vmem>>) offsets(%dma_start3A_298 : memref<1xi32, #tpu.memory_space<vmem>>) semaphore(%dma_start3A_304 : memref<!tpu.dma_semaphore, #tpu.memory_space<semaphore_mem>>)
      } else {
      }
    }
    %scan3A_56 = arith.constant 32 : i32
    %add3A_57 = arith.constant 127 : i32
    %add3A_58 = arith.addi %mul3A_2, %add3A_57 : i32
    %dma_wait3A = arith.constant 3 : i32
    %dma_wait3A_59 = arith.constant 3 : i32
    %dma_wait3A_60 = arith.constant 0 : i32
    %dma_wait3A_61 = arith.constant 0 : i32
    %dma_wait3A_62 = arith.constant 0 : i32
    %dma_wait3A_63 = tpu.memref_slice %arg6[%dma_wait3A, %dma_wait3A_60, %dma_wait3A_61, %dma_wait3A_62] : memref<4x1x32x768xf32, #tpu.memory_space<vmem>> -> memref<1x1x32x768xf32, #tpu.memory_space<vmem>>
    %dma_wait3A_64 = tpu.memref_squeeze %dma_wait3A_63 : memref<1x1x32x768xf32, #tpu.memory_space<vmem>> -> memref<1x32x768xf32, #tpu.memory_space<vmem>>
    %dma_wait3A_65 = arith.constant 0 : i32
    %dma_wait3A_66 = arith.constant 0 : i32
    %dma_wait3A_67 = tpu.memref_slice %arg4[%add3A_58, %dma_wait3A_65, %dma_wait3A_66] : memref<4096x32x768xf32, #tpu.memory_space<hbm>> -> memref<1x32x768xf32, #tpu.memory_space<hbm>>
    %dma_wait3A_68 = tpu.memref_slice %arg8[%dma_wait3A_59] : memref<4x!tpu.dma_semaphore, #tpu.memory_space<semaphore_mem>> -> memref<1x!tpu.dma_semaphore, #tpu.memory_space<semaphore_mem>>
    %dma_wait3A_69 = tpu.memref_squeeze %dma_wait3A_68 : memref<1x!tpu.dma_semaphore, #tpu.memory_space<semaphore_mem>> -> memref<!tpu.dma_semaphore, #tpu.memory_space<semaphore_mem>>
    %dma_wait3A_70 = arith.constant 0 : i32
    %dma_wait3A_71 = arith.constant 0 : i32
    %dma_wait3A_72 = tpu.memref_slice %arg4[%add3A_58, %dma_wait3A_70, %dma_wait3A_71] : memref<4096x32x768xf32, #tpu.memory_space<hbm>> -> memref<1x32x768xf32, #tpu.memory_space<hbm>>
    %dma_wait3A_73 = arith.constant 0 : i32
    %dma_wait3A_74 = arith.constant 0 : i32
    %dma_wait3A_75 = arith.constant 0 : i32
    %dma_wait3A_76 = tpu.memref_slice %arg6[%dma_wait3A, %dma_wait3A_73, %dma_wait3A_74, %dma_wait3A_75] : memref<4x1x32x768xf32, #tpu.memory_space<vmem>> -> memref<1x1x32x768xf32, #tpu.memory_space<vmem>>
    %dma_wait3A_77 = tpu.memref_squeeze %dma_wait3A_76 : memref<1x1x32x768xf32, #tpu.memory_space<vmem>> -> memref<1x32x768xf32, #tpu.memory_space<vmem>>
    tpu.wait_dma2 semaphore(%dma_wait3A_69 : memref<!tpu.dma_semaphore, #tpu.memory_space<semaphore_mem>>) src(%dma_wait3A_77 : memref<1x32x768xf32, #tpu.memory_space<vmem>>) dst(%dma_wait3A_72 : memref<1x32x768xf32, #tpu.memory_space<hbm>>)
    return
  }
}

module attributes {stable_mosaic.version = 14 : i64} {
  func.func @_masks_tc_body(%arg0: i32, %arg1: memref<512x1xi32, #tpu.memory_space<vmem>>, %arg2: memref<1024x32xf32, #tpu.memory_space<vmem>>, %arg3: memref<512x32xi32, #tpu.memory_space<vmem>>) attributes {dimension_semantics = [#tpu.dimension_semantics<arbitrary>], iteration_bounds = array<i64: 8>, scalar_prefetch = 0 : i64, scratch_operands = 0 : i64, tpu.core_type = #tpu.core_type<tc>, window_params = [{transform_indices = @transform_0, window_bounds = array<i64: 512, 1>}, {pipeline_mode = #tpu.pipeline_mode<synchronous>, transform_indices = @transform_1, window_bounds = array<i64: 1024, 32>}, {transform_indices = @transform_2, window_bounds = array<i64: 512, 32>}]} {
    %get3A = arith.constant 0 : index
    %get3A_0 = arith.constant 0 : index
    %get3A_1 = vector.load %arg1[%get3A, %get3A_0] : memref<512x1xi32, #tpu.memory_space<vmem>>, vector<512x1xi32>
    %iota3A = tpu.iota {dimensions = array<i32: 1>} : vector<512x1024xi32>
    %eq3A = vector.broadcast %get3A_1 : vector<512x1xi32> to vector<512x1024xi32>
    %eq3A_2 = arith.cmpi eq, %eq3A, %iota3A : vector<512x1024xi32>
    %convert_element_type3A = arith.extui %eq3A_2 : vector<512x1024xi1> to vector<512x1024xi32>
    %convert_element_type3A_3 = arith.sitofp %convert_element_type3A : vector<512x1024xi32> to vector<512x1024xf32>
    %get3A_4 = arith.constant 0 : index
    %get3A_5 = arith.constant 0 : index
    %get3A_6 = vector.load %arg2[%get3A_4, %get3A_5] : memref<1024x32xf32, #tpu.memory_space<vmem>>, vector<1024x32xf32>
    %dot_general3A = arith.constant dense<0.000000e+00> : vector<512x32xf32>
    %dot_general3A_7 = tpu.matmul %convert_element_type3A_3, %get3A_6, %dot_general3A {dimension_numbers = #tpu.dot_dimension_numbers<[1], [0], [0], [1], [0, 0, 1, 1], [], []>, transpose_lhs_hint = false} : vector<512x1024xf32>, vector<1024x32xf32>, vector<512x32xf32> -> vector<512x32xf32>
    %convert_element_type3A_8 = arith.fptosi %dot_general3A_7 : vector<512x32xf32> to vector<512x32xi32>
    %swap3A = arith.constant 0 : index
    %swap3A_9 = arith.constant 0 : index
    %swap3A_10 = vector.load %arg3[%swap3A, %swap3A_9] : memref<512x32xi32, #tpu.memory_space<vmem>>, vector<512x32xi32>
    tpu.vector_store %arg3[%swap3A, %swap3A_9], %convert_element_type3A_8 {strides = array<i32>} : memref<512x32xi32, #tpu.memory_space<vmem>>, vector<512x32xi32>,
    return
  }
  func.func @transform_0(%arg0: i32) -> (i32, i32) {
    %c0_i32 = arith.constant 0 : i32
    %c0_i32_0 = arith.constant 0 : i32
    return %arg0, %c0_i32 : i32, i32
  }
  func.func @transform_1(%arg0: i32) -> (i32, i32) {
    %c0_i32 = arith.constant 0 : i32
    %c0_i32_0 = arith.constant 0 : i32
    %c0_i32_1 = arith.constant 0 : i32
    return %c0_i32, %c0_i32_0 : i32, i32
  }
  func.func @transform_2(%arg0: i32) -> (i32, i32) {
    %c0_i32 = arith.constant 0 : i32
    %c0_i32_0 = arith.constant 0 : i32
    return %arg0, %c0_i32 : i32, i32
  }
}

</mosaic_0001>

<sc_bundles>
// kernel: _launch.4.cloned.1.call-start
scs
__scs_entry_jumppad:
0x0: {  	(pc) =	sbr.rel $0x88, $3  }
0x1: {  	(tag) =	ssettag $0x0;
	lr =	simm.s32 $0x1  }
0x2: {  	[smem:$0x3F9E] =	sst lr;
	_ =	strace $0xD0000000  }
0x3: {  	_ = 	snop  }
0x4: {  	_ = 	snop  }
0x5: {  	_ = 	snop  }
0x6: {  	_ = 	snop  }
0x7: {  	_ = 	snop  }
__scs_overlays_trampoline_lowered:
0x8: {  	[smem:$0x3FAD] =	sst s0  }
0x9: {  	[smem:$0x3FAE] =	sst s1  }
0xa: {  	[smem:$0x3FAF] =	sst s2  }
0xb: {  	[smem:$0x3FB0] =	sst s3  }
0xc: {  	[smem:$0x3FB1] =	sst s4  }
0xd: {  	[smem:$0x3FB2] =	sst s5  }
0xe: {  	[smem:$0x3FB3] =	sst s6  }
0xf: {  	[smem:$0x3FB4] =	sst s7  }
0x10: {  	[smem:$0x3FB5] =	sst s8  }
0x11: {  	[smem:$0x3FB6] =	sst s9;
	s0 =	simm.s32 @!p0 $0x0  }
0x12: {  	s1 =	sld [smem:$0x3F9C];
	s0 =	simm.s32 @p0 $0x1  }
0x13: {  	[smem:$0x3FB7] =	sst s0;
	s0 =	simm.s32 @!p1 $0x0  }
0x14: {  	s2 =	sld [smem:$0x3F9B];
	s0 =	simm.s32 @p1 $0x1  }
0x15: {  	[smem:$0x3FB8] =	sst s0;
	s0 =	simm.s32 @!p2 $0x0  }
0x16: {  	s3 =	sld [smem:$0x3FDB];
	s0 =	simm.s32 @p2 $0x1  }
0x17: {  	s4 =	simm.s32 $0x1BF5;
	[smem:$0x3FBA] =	sst s0  }
0x18: {  	s0 =	sld [smem:$0x3F9D];
	_ =	swait.ge [sflag:s4], $0x0  }
0x19: {  	s7 =	sld [smem:$0x3F9E]  }
0x1a: {  	s8 =	sadd.s32 $0xFFFFE003, lr  }
0x1b: {  	s9 =	sadd.s32 $0xFFFFFEF7, lr;
	s5 =	simm.s32 $0xFFFFFFFF;
	p2 =	slt.u32 s8, $0xFFFFF086  }
0x1c: {  	p1 =	slt.u32 s9, $0xF7A;
	s5 =	simm.s32 @!p2 $0x0  }
0x1d: {  	s5 =	simm.s32 @p1 $0x1;
	p0 =	seq.s32 s7, s2  }
0x1e: {  	s7 =	smul.u32 @!p0 $0xF7A, s2;
	p2 =	seq.s32 @!p0 s5, $0x0  }
0x1f: {  	s9 =	smul.u32 $0xF7A, s1;
	s8 =	simm.s32 @!p0 $0x1BF5;
	p2 =	por !p2, p0  }
0x20: {  	[sflag:s8] =	ssyncset.s32 @!p0 $0xFFFFF086;
	s6 =	sadd.s32 @!p0 s3, s7;
	s7 =	simm.s32 @!p0 $0x108  }
0x21: {  	s3 =	sadd.s32 s3, s9;
	s6 =	sadd.s32 @!p0 $0x88, s6;
	s7 =	simm.s32 @p2 $0x1082  }
0x22: {  	[simem:s7], [sflag:s8] =	dma.local @!p0 [hbm:s6], $0xF7A  }
0x23: {  	s9 =	sor.u32 $0xD0000000, s2;
	s6 =	simm.s32 $0x108;
	_ =	swait.ge @!p0 [sflag:s8], $0x0  }
0x24: {  	s3 =	sadd.s32 $0x88, s3;
	s6 =	simm.s32 @!p1 $0x1082;
	[sflag:s4] =	ssyncset.s32 $0xFFFFF086  }
0x25: {  	[simem:s6], [sflag:s4] =	dma.local [hbm:s3], $0xF7A  }
0x26: {  	[smem:$0x3F9E] =	sst s1;
	(tag) =	ssettag s2;
	_ =	strace s9  }
0x27: {  	s1 =	sld [smem:$0x3FAE]  }
0x28: {  	s2 =	sld [smem:$0x3FAF]  }
0x29: {  	s4 =	sld [smem:$0x3FB1]  }
0x2a: {  	p0 =	seq.s32 s5, $0x0;
	s5 =	sld [smem:$0x3FB2]  }
0x2b: {  	s6 =	sld [smem:$0x3FB3]  }
0x2c: {  	s7 =	sld [smem:$0x3FB4]  }
0x2d: {  	s3 =	simm.s32 $0x108;
	s8 =	sld [smem:$0x3FB5]  }
0x2e: {  	s3 =	simm.s32 @!p0 $0x1082;
	s9 =	sld [smem:$0x3FB6]  }
0x2f: {  	lr =	sadd.s32 s0, s3;
	s0 =	sld [smem:$0x3FAD]  }
0x30: {  	s3 =	sld [smem:$0x3FB0]  }
0x31: {  	[smem:$0x3FB9] =	sst s10  }
0x32: {  	s10 =	sld [smem:$0x3FB7];
	_ =	sdelay $0x3  }
0x33: {  	p0 =	seq.s32 s10, $0x1;
	s10 =	sld [smem:$0x3FB9];
	_ =	sdelay $0x3  }
0x34: {  	[smem:$0x3FB9] =	sst s10  }
0x35: {  	s10 =	sld [smem:$0x3FB8];
	_ =	sdelay $0x3  }
0x36: {  	p1 =	seq.s32 s10, $0x1;
	s10 =	sld [smem:$0x3FB9];
	_ =	sdelay $0x3  }
0x37: {  	[smem:$0x3FB9] =	sst s10  }
0x38: {  	s10 =	sld [smem:$0x3FBA]  }
0x39: {  	_ = 	snop;
	(pc) =	sbr.ind lr, $3  }
0x3a: {  	_ = 	snop  }
0x3b: {  	_ = 	snop  }
0x3c: {  	p2 =	seq.s32 s10, $0x1;
	s10 =	sld [smem:$0x3FB9]  }
0x3d: {  	_ =	shalt  }
0x3e: {  	_ =	shalt  }
0x3f: {  	_ =	shalt  }
0x40: {  	_ =	shalt  }
0x41: {  	_ =	shalt  }
0x42: {  	_ =	shalt  }
0x43: {  	_ =	shalt  }
0x44: {  	_ =	shalt  }
0x45: {  	_ =	shalt  }
0x46: {  	_ =	shalt  }
0x47: {  	_ =	shalt  }
0x48: {  	_ =	shalt  }
0x49: {  	_ =	shalt  }
0x4a: {  	_ =	shalt  }
0x4b: {  	_ =	shalt  }
0x4c: {  	_ =	shalt  }
0x4d: {  	_ =	shalt  }
0x4e: {  	_ =	shalt  }
0x4f: {  	_ =	shalt  }
0x50: {  	_ =	shalt  }
0x51: {  	_ =	shalt  }
0x52: {  	_ =	shalt  }
0x53: {  	_ =	shalt  }
0x54: {  	_ =	shalt  }
0x55: {  	_ =	shalt  }
0x56: {  	_ =	shalt  }
0x57: {  	_ =	shalt  }
0x58: {  	_ =	shalt  }
0x59: {  	_ =	shalt  }
0x5a: {  	_ =	shalt  }
0x5b: {  	_ =	shalt  }
0x5c: {  	_ =	shalt  }
0x5d: {  	_ =	shalt  }
0x5e: {  	_ =	shalt  }
0x5f: {  	_ =	shalt  }
0x60: {  	_ =	shalt  }
0x61: {  	_ =	shalt  }
0x62: {  	_ =	shalt  }
0x63: {  	_ =	shalt  }
0x64: {  	_ =	shalt  }
0x65: {  	_ =	shalt  }
0x66: {  	_ =	shalt  }
0x67: {  	_ =	shalt  }
0x68: {  	_ =	shalt  }
0x69: {  	_ =	shalt  }
0x6a: {  	_ =	shalt  }
0x6b: {  	_ =	shalt  }
0x6c: {  	_ =	shalt  }
0x6d: {  	_ =	shalt  }
0x6e: {  	_ =	shalt  }
0x6f: {  	_ =	shalt  }
0x70: {  	_ =	shalt  }
0x71: {  	_ =	shalt  }
0x72: {  	_ =	shalt  }
0x73: {  	_ =	shalt  }
0x74: {  	_ =	shalt  }
0x75: {  	_ =	shalt  }
0x76: {  	_ =	shalt  }
0x77: {  	_ =	shalt  }
0x78: {  	_ =	shalt  }
0x79: {  	_ =	shalt  }
0x7a: {  	_ =	shalt  }
0x7b: {  	_ =	shalt  }
0x7c: {  	_ =	shalt  }
0x7d: {  	_ =	shalt  }
0x7e: {  	_ =	shalt  }
0x7f: {  	_ =	shalt  }
0x80: {  	_ =	shalt  }
0x81: {  	_ =	shalt  }
0x82: {  	_ =	shalt  }
0x83: {  	_ =	shalt  }
0x84: {  	_ =	shalt  }
0x85: {  	_ =	shalt  }
0x86: {  	_ =	shalt  }
0x87: {  	_ =	shalt  }
.Lfunc_end0:
.L_simem_size_0:
called_computation_lowered:
.L_overlay_start_0:
0x88: {  	s2 =	sld [smem:$0x3FD9]  }
0x89: {  	s3 =	sld [smem:$0x3FFE];
	_ =	sdelay $0x1  }
0x8a: {  	s1 =	srdreg.scid  }
0x8b: {  	s0 =	sand.u32 $0x1, s1  }
0x8c: {  	s14 =	sshll.u32 s0, $0xA;
	s2 =	sadd.s32 s3, s2  }
0x8d: {  	s2 =	sadd.s32 s2, s14  }
0x8e: {  	[smem:$0x3FC5] =	sst s2  }
0x8f: {  	_ = 	snop  }
0x90: {  	s2 =	sld [smem:$0x3FD0];
	_ =	sdelay $0x2  }
0x91: {  	s4 =	simm.s32 $0xA;
	s5 =	simm.s32 $0x10;
	s15 =	sld [smem:$0x3FC9]  }
0x92: {  	[smem:s5], [sflag:s4] =	dma.local [hbm:s2], $0x1  }
0x93: {  	_ =	swait.eq [sflag:s4], $0x1  }
0x94: {  	[sflag:s4] =	ssyncset.done $0x0  }
0x95: {  	[sflag:s4] =	ssyncadd.s32 $0xFFFFFFFF  }
0x96: {  	s16 =	sld [smem:$0x10];
	(tm) =	ssettm $0x1  }
0x97: {  	s17 =	sld [smem:$0x3FFB];
	_ =	sdelay $0x3  }
0x98: {  	_ =	strace s17  }
0x99: {  	s4 =	sld [smem:$0x3FFC];
	_ =	sdelay $0x3  }
0x9a: {  	_ =	strace s4  }
0x9b: {  	s4 =	sld [smem:$0x3FFD];
	_ =	sdelay $0x3  }
0x9c: {  	_ =	strace s4  }
0x9d: {  	_ =	strace $0x8FFFFFFF  }
0x9e: {  	s18 =	sld [smem:$0x3FDB];
	_ =	sdelay $0x1  }
0x9f: {  	s19 =	simm.s32 $_scs_section_size  }
0xa0: {  	s6 =	simm.s32 $_size__tile_overlayer_lowered;
	s7 =	simm.s32 $_tile_overlayer_lowered  }
0xa1: {  	s22 =	simm.s32 $0x1BFF;
	s21 =	sshll.u32 s7, $0x1;
	s4 =	sadd.s32 s19, s18  }
0xa2: {  	s8 =	simm.s32 $0x0;
	s20 =	sshll.u32 s6, $0x1;
	s6 =	sadd.s32 s21, s4  }
0xa3: {  	[timem:s8], [sflag:s22] =	dma.local [hbm:s6], s20  }
0xa4: {  	_ =	swait.ge [sflag:s22], s20  }
0xa5: {  	s5 =	ssub.s32 $0x0, s20;
	[sflag:s22] =	ssyncset.done $0x0  }
0xa6: {  	[sflag:s22] =	ssyncadd.s32 s5;
	_ =	sdelay $0x1  }
0xa7: {  	s23 =	simm.s32 $0x1B8B  }
0xa8: {  	_ =	swait.ge [sflag:s23], $0x1  }
0xa9: {  	[sflag:s23] =	ssyncset.done $0x0  }
0xaa: {  	s25 =	simm.s32 $0x1B8E;
	s24 =	sld [smem:$0x3FFE];
	[sflag:s23] =	ssyncadd.s32 $0xFFFFFFFF  }
0xab: {  	s26 =	simm.s32 $execute0_lowered;
	[smem:$0x3FD2] =	sst s25  }
0xac: {  	s6 =	sshll.u32 s26, $0x1;
	_ =	strace $0x80000046;
	[dreg:$0x1] =	wrdreg $0xFFFFFFFF  }
0xad: {  	s28 =	simm.s32 $_size_execute0_lowered;
	s4 =	sadd.s32 s4, s6;
	[dreg:$0x0] =	wrdreg $0x0  }
0xae: {  	s6 =	sshll.u32 s28, $0x1;
	[dreg:$0x2] =	wrdreg s4  }
0xaf: {  	[dreg:$0x3] =	wrdreg s6  }
0xb0: {  	[dreg:$0x4] =	wrdreg $0xC0  }
0xb1: {  	_ =	task [dreg:s8], $0x5FFFF  }
0xb2: {  	[dreg:$0x1] =	wrdreg $0xFFFFFFFF  }
0xb3: {  	[dreg:$0x0] =	wrdreg $0x60  }
0xb4: {  	[dreg:$0x2] =	wrdreg s15  }
0xb5: {  	[dreg:$0x3] =	wrdreg s24  }
0xb6: {  	[dreg:$0x4] =	wrdreg s16  }
0xb7: {  	[dreg:$0x5] =	wrdreg $0x9  }
0xb8: {  	_ =	task.clear_ibuf [dreg:s8], $0x6FFFF;
	_ =	strace $0x90000046  }
0xb9: {  	s29 =	simm.s32 $0x9;
	_ =	strace $0x80000048  }
0xba: {  	_ =	swait.ge [sflag:s29], $0x1  }
0xbb: {  	[sflag:s29] =	ssyncadd.s32 $0xFFFFFFFF  }
0xbc: {  	_ =	strace $0x90000048  }
0xbd: {  	_ =	sfence  }
0xbe: {  	s30 =	sld [smem:$0x0];
	_ =	sdelay $0x2  }
0xbf: {  	s31 =	sshll.u32 s1, $0xD;
	s1 =	sshrl.u32 s1, $0x2  }
0xc0: {  	s3 =	sand.u32 $0x4000, s31;
	s1 =	sadd.s32 s1, s30  }
0xc1: {  	s0 =	sor.u32 s3, s0;
	s1 =	sshll.u32 s1, $0x11  }
0xc2: {  	s0 =	sor.u32 s1, s0  }
0xc3: {  	s0 =	sadd.s32 $0x8F2B, s0  }
0xc4: {  	[sflag:s0] =	ssyncadd.remote.s32 $0x1  }
0xc5: {  	_ =	sfence.sel $0xFFFF  }
0xc6: {  	[dreg:$0x0] =	wrdreg $0xFFFFFFFF;
	(pc) =	sbr.abs _section_cstart, $3  }
0xc7: {  	[dreg:$0x1] =	wrdreg $0xFFFFFFFF  }
0xc8: {  	_ =	task.clear_ibuf [dreg:s8], $0x2FFFF;
	_ =	strace $0x9FFFFFFF  }
0xc9: {  	(tm) =	ssettm $0x7FFFFFFF  }
tec
execute0_lowered:
.L_overlay_start_1:
0x0: {  	(tag) =	ssettag $0x1  }
0x1: {  	s1 =	rddreg [dreg:$0x0]  }
0x2: {  	s4 =	rddreg [dreg:$0x1]  }
0x3: {  	s6 =	rddreg [dreg:$0x2]  }
0x4: {  	s0 =	rddreg [dreg:$0x3];
	s3 =	simm.s32 $0x0  }
0x5: {  	s5 =	srdreg.scid;
	s2 =	stileid.u32;
	s11 =	simm.s32 $0x1  }
0x6: {  	s12 =	simm.s32 $0x16000;
	s13 =	simm.s32 $0x2;
	s14 =	simm.s32 $0x5  }
0x7: {  	s15 =	simm.s32 $0x3;
	s16 =	simm.s32 $0x6;
	s17 =	simm.s32 $0x4  }
0x8: {  	s18 =	simm.s32 $0x7;
	s19 =	simm.s32 $0x8;
	s20 =	simm.s32 $0x0  }
0x9: {  	[smem:$0x7FF] =	sst s3;
	s5 =	sand.u32 $0x1, s5;
	s10 =	smul.u32 $0xC0000, s2  }
0xa: {  	s7 =	sshll.u32 s2, $0xC;
	_ =	strace $0x80000047;
	s31 =	smul.u32 $0x60000, s5  }
.Ltmp0:
0xb: {  	s8 =	sshll.u32 s5, $0xB;
	s9 =	ssub.s32 $0x2, s5;
	(pc) =	sbr.rel .LBB2_1-.Ltmp0, $4  }
0xc: {  	s7 =	sor.u32 s8, s7;
	s29 =	sshrl.u32 s9, $0x1;
	s6 =	sadd.s32 s10, s6  }
0xd: {  	s8 =	simm.s32 $0x4000;
	s10 =	simm.s32 $0x10000;
	s4 =	sadd.s32 s7, s4  }
0xe: {  	s30 =	ssub.s32 s9, s29;
	s6 =	sadd.s32 s31, s6;
	s7 =	simm.s32 $0x9  }
0xf: {  	vm0 =	vmmov $0x1;
	v0 =	vlaneseq.u32;
	s9 =	simm.s32 $0xA000;
	s4 =	sadd.s32 $0x800, s4;
	s5 =	smax.u32 s30, $0x1  }
.LBB2_4:
0x10: {  	s20 =	sadd.s32 $0x1, s20  }
0x11: {  	p0 =	sne.s32 s20, s5  }
.Ltmp1:
0x12: {  	_ = 	snop;
	(pc) =	sbr.rel @!p0 .LBB2_5-.Ltmp1, $4  }
0x13: {  	_ = 	snop  }
0x14: {  	_ =	swait.ge [sflag:s19], $0x6000  }
0x15: {  	[sflag:s19] =	ssyncset.done $0x0  }
0x16: {  	[sflag:s19] =	ssyncadd.s32 $0xFFFFA000  }
.LBB2_1:
0x17: {  	[tilespmem:s3], [sflag:$0x9] =	stream.linear.gather [hbm4b:s4+s3], $0x4000, $0x38;
	[tilespmem:$0x1C000] =	vst v63  }
0x18: {  	_ =	swait.ge [sflag:s7], $0x4000  }
0x19: {  	[sflag:s7] =	ssyncset.done $0x0  }
0x1a: {  	[sflag:s7] =	ssyncadd.s32 $0xFFFFC000  }
0x1b: {  	v1 =	vld.msk [tilespmem:$0x0], $0x1;
	_ =	sdelay $0x4  }
0x1c: {  	v1 =	vmul.u32 $0x6000, v1;
	_ =	sdelay $0x1  }
0x1d: {  	v1 =	vperm.xlane v1, v0;
	_ =	sdelay $0x5  }
0x1e: {  	[tilespmem:s8], [sflag:$0x1] =	stream.indirect_vreg.gather [hbm4b:s1+s3], $0x6000, v1, vm0, $0x38;
	[tilespmem:$0x1C000] =	vst v63  }
0x1f: {  	v1 =	vld.msk [tilespmem:$0x80], $0x1;
	_ =	sdelay $0x4  }
0x20: {  	v1 =	vmul.u32 $0x6000, v1;
	_ =	sdelay $0x1  }
0x21: {  	v1 =	vperm.xlane v1, v0;
	_ =	sdelay $0x5  }
0x22: {  	[tilespmem:s9], [sflag:$0x2] =	stream.indirect_vreg.gather [hbm4b:s1+s3], $0x6000, v1, vm0, $0x38;
	[tilespmem:$0x1C000] =	vst v63  }
0x23: {  	v1 =	vld.msk [tilespmem:$0x100], $0x1;
	_ =	sdelay $0x4  }
0x24: {  	v1 =	vmul.u32 $0x6000, v1;
	_ =	sdelay $0x1  }
0x25: {  	v1 =	vperm.xlane v1, v0;
	_ =	sdelay $0x4  }
0x26: {  	s21 =	simm.s32 $0x300;
	s22 =	simm.s32 $0x0  }
0x27: {  	[tilespmem:s10], [sflag:$0x3] =	stream.indirect_vreg.gather [hbm4b:s1+s3], $0x6000, v1, vm0, $0x38;
	[tilespmem:$0x1C000] =	vst v63  }
.LBB2_2:
0x28: {  	_ =	swait.ge [sflag:s11], $0x6000  }
0x29: {  	p0 =	seq.s32 s22, $0x0;
	[sflag:s11] =	ssyncset.done $0x0  }
0x2a: {  	s23 =	sadd.s32 s22, s6;
	s24 =	simm.s32 @!p0 $0x8;
	[sflag:s11] =	ssyncadd.s32 $0xFFFFA000  }
0x2b: {  	[hbm4b:s23+s3] =	stream.linear.scatter [tilespmem:s8], [sflag:$0x5], $0x6000, $0x38;
	[tilespmem:$0x1C000] =	vst v63  }
0x2c: {  	_ =	swait.ge @!p0 [sflag:s24], $0x6000  }
0x2d: {  	[sflag:s24] =	ssyncset.done @!p0 $0x0  }
0x2e: {  	[sflag:s24] =	ssyncadd.s32 @!p0 $0xFFFFA000  }
0x2f: {  	v1 =	vld.msk [tilespmem:s21+$0xFFFFFE80], $0x1;
	_ =	sdelay $0x4  }
0x30: {  	v1 =	vmul.u32 $0x6000, v1;
	_ =	sdelay $0x1  }
0x31: {  	v1 =	vperm.xlane v1, v0;
	_ =	sdelay $0x5  }
0x32: {  	[tilespmem:s12], [sflag:$0x4] =	stream.indirect_vreg.gather [hbm4b:s1+s3], $0x6000, v1, vm0, $0x38;
	[tilespmem:$0x1C000] =	vst v63  }
0x33: {  	_ =	swait.ge [sflag:s13], $0x6000  }
0x34: {  	[sflag:s13] =	ssyncset.done $0x0  }
0x35: {  	s30 =	sadd.s32 $0xC00, s23;
	[sflag:s13] =	ssyncadd.s32 $0xFFFFA000  }
0x36: {  	[hbm4b:s30+s3] =	stream.linear.scatter [tilespmem:s9], [sflag:$0x6], $0x6000, $0x38;
	[tilespmem:$0x1C000] =	vst v63  }
0x37: {  	_ =	swait.ge [sflag:s14], $0x6000  }
0x38: {  	[sflag:s14] =	ssyncset.done $0x0  }
0x39: {  	p0 =	seq.s32 s22, $0x5D000;
	[sflag:s14] =	ssyncadd.s32 $0xFFFFA000  }
0x3a: {  	v1 =	vld.msk @!p0 [tilespmem:s21+$0xFFFFFF00], $0x1;
	_ =	sdelay $0x4  }
0x3b: {  	v1 =	vmul.u32 @!p0 $0x6000, v1  }
0x3c: {  	v2 =	vlaneseq.u32 @!p0  }
0x3d: {  	v1 =	vperm.xlane @!p0 v1, v2;
	_ =	sdelay $0x4  }
0x3e: {  	vm1 =	vmmov @!p0 $0x1;
	s24 =	simm.s32 @!p0 $0x0;
	s25 =	simm.s32 @!p0 $0x4000  }
0x3f: {  	[tilespmem:s25], [sflag:$0x1] =	stream.indirect_vreg.gather @!p0 [hbm4b:s1+s24], $0x6000, v1, vm1, $0x38;
	[tilespmem:$0x1C000] =	vst v63  }
0x40: {  	_ =	swait.ge [sflag:s15], $0x6000  }
0x41: {  	[sflag:s15] =	ssyncset.done $0x0  }
0x42: {  	s31 =	sadd.s32 $0x1800, s23;
	[sflag:s15] =	ssyncadd.s32 $0xFFFFA000  }
0x43: {  	[hbm4b:s31+s3] =	stream.linear.scatter [tilespmem:s10], [sflag:$0x7], $0x6000, $0x38;
	[tilespmem:$0x1C000] =	vst v63  }
0x44: {  	_ =	swait.ge [sflag:s16], $0x6000  }
0x45: {  	[sflag:s16] =	ssyncset.done $0x0  }
0x46: {  	[sflag:s16] =	ssyncadd.s32 $0xFFFFA000  }
0x47: {  	v1 =	vld.msk @!p0 [tilespmem:s21+$0xFFFFFF80], $0x1;
	_ =	sdelay $0x4  }
0x48: {  	v1 =	vmul.u32 @!p0 $0x6000, v1;
	_ =	sdelay $0x1  }
0x49: {  	v1 =	vperm.xlane @!p0 v1, v2;
	_ =	sdelay $0x4  }
0x4a: {  	s25 =	simm.s32 @!p0 $0xA000  }
0x4b: {  	[tilespmem:s25], [sflag:$0x2] =	stream.indirect_vreg.gather @!p0 [hbm4b:s1+s24], $0x6000, v1, vm1, $0x38;
	[tilespmem:$0x1C000] =	vst v63  }
0x4c: {  	_ =	swait.ge [sflag:s17], $0x6000  }
0x4d: {  	[sflag:s17] =	ssyncset.done $0x0  }
.Ltmp2:
0x4e: {  	s23 =	sadd.s32 $0x2400, s23;
	[sflag:s17] =	ssyncadd.s32 $0xFFFFA000;
	(pc) =	sbr.rel @p0 .LBB2_4-.Ltmp2, $4  }
0x4f: {  	[hbm4b:s23+s3] =	stream.linear.scatter [tilespmem:s12], [sflag:$0x8], $0x6000, $0x38;
	[tilespmem:$0x1C000] =	vst v63  }
0x50: {  	_ =	swait.ge [sflag:s18], $0x6000  }
0x51: {  	[sflag:s18] =	ssyncset.done $0x0  }
0x52: {  	[sflag:s18] =	ssyncadd.s32 $0xFFFFA000  }
0x53: {  	v1 =	vld.msk [tilespmem:s21+$0x0], $0x1;
	_ =	sdelay $0x4  }
0x54: {  	v1 =	vmul.u32 $0x6000, v1;
	_ =	sdelay $0x1  }
0x55: {  	v1 =	vperm.xlane v1, v0;
	_ =	sdelay $0x1  }
.Ltmp3:
0x56: {  	_ = 	snop;
	(pc) =	sbr.rel .LBB2_2-.Ltmp3, $3  }
0x57: {  	_ =	sdelay $0x1  }
0x58: {  	s22 =	sadd.s32 $0x3000, s22;
	s21 =	sadd.s32 $0x200, s21  }
0x59: {  	[tilespmem:s10], [sflag:$0x3] =	stream.indirect_vreg.gather [hbm4b:s1+s3], $0x6000, v1, vm0, $0x38;
	[tilespmem:$0x1C000] =	vst v63  }
.LBB2_5:
0x5a: {  	_ =	sfence.sel $0x180000  }
0x5b: {  	[bflag:$0x0] =	sbarrier.arrive $0xFFFF  }
0x5c: {  	p0 =	sne.s32 s2, $0x0;
	_ =	strace $0x90000047  }
0x5d: {  	s0 =	sadd.s32 @!p0 $0x100000, s0;
	[bflag:$0x2] =	sbarrier.arrive $0xFFFF  }
0x5e: {  	[sflag:s0] =	ssyncadd.tile.s32 @!p0 $0x1;
	_ =	shalt  }
.Lfunc_end2:
_tile_overlayer_lowered:
.L_overlay_start_2:
0x5f: {  	(tag) =	ssettag $0x2  }
0x60: {  	s0 =	rddreg [dreg:$0x0];
	s2 =	stileid.u32  }
0x61: {  	s1 =	rddreg [dreg:$0x1];
	p0 =	sne.s32 s2, $0x0  }
0x62: {  	s3 =	rddreg [dreg:$0x2];
	[bflag:$0x3] =	sbarrier.arrive $0xFFFF;
	s2 =	simm.s32 @!p0 $0x1C09  }
0x63: {  	[timem:s3], [sflag:s2] =	dma.local @!p0 [hbm:s0], s1  }
0x64: {  	s0 =	simm.s32 @!p0 $0x9  }
0x65: {  	_ =	swait.ge @!p0 [sflag:s0], s1  }
0x66: {  	s1 =	ssub.s32 @!p0 $0x0, s1;
	[sflag:s0] =	ssyncset.done @!p0 $0x0  }
0x67: {  	[sflag:s0] =	ssyncadd.s32 @!p0 s1  }
0x68: {  	[bflag:$0x3] =	sbarrier.arrive $0xFFFF  }
0x69: {  	_ =	shalt  }

</sc_bundles>
